<compile_context>
chip_gen: v7x
topology: tpu7x:2x2x1
jax: 0.10.2.dev20260603
libtpu: 0.0.44.dev20260713+nightly
codegen_flags: <defaults>
</compile_context>

<pallas_src>
import functools

import jax
import jax.numpy as jnp
from jax import lax
from jax.experimental import pallas as pl
from jax.experimental.pallas import tpu as pltpu
from jax.experimental.pallas import tpu_sc as plsc

N_NODE = 50000
D = 128
DW = D // 2
E = 320000
NC, NS, L = 2, 16, 16
NW = NC * NS
PER_W = E // NW
CH = 80
NCHUNK = PER_W // CH
NPAIR = (NCHUNK - 1) // 2


def _rsqrt(x):
    i = plsc.bitcast(x, jnp.int32)
    r = plsc.bitcast(jnp.int32(0x5F3759DF) - (i >> 1), jnp.float32)
    for _ in range(3):
        r = r * (1.5 - 0.5 * x * r * r)
    return r


def _compute_chunk(rows_c, rows_a, out_v, out_base):

    def kbody(k, _):
        lane = lax.iota(jnp.int32, L)
        rid = lane + k * L

        def dbody(d, carry):
            num, c2, a2 = carry
            col = (lane + d) & (D - 1)
            hc = plsc.load_gather(rows_c, [rid, col])
            ha = plsc.load_gather(rows_a, [rid, col])
            return (num + hc * ha, c2 + hc * hc, a2 + ha * ha)

        z = jnp.zeros((L,), jnp.float32)
        num, c2, a2 = lax.fori_loop(0, D, dbody, (z, z, z), unroll=4)
        c2s = jnp.maximum(c2, 1e-35)
        a2s = jnp.maximum(a2, 1e-35)
        den = (c2s * _rsqrt(c2s)) * (a2s * _rsqrt(a2s)) + 1e-8
        out_v[pl.ds(out_base + k * L, L)] = num / den
        return 0

    lax.fori_loop(0, CH // L, kbody, 0)


def _body(pos_src, pos_dst, neg_src, neg_dst, emb_c, emb_a,
          pos_out, neg_out,
          idx_s, idx_d, rc0, rc1, ra0, ra1, out_v, sem0, sem1):
    wid = lax.axis_index("s") * NC + lax.axis_index("c")

    def start(c, rc, ra, sem):
        pltpu.make_async_copy(emb_c.at[idx_s.at[c]], rc, sem).start()
        pltpu.make_async_copy(emb_a.at[idx_d.at[c]], ra, sem).start()

    def wait(c, rc, ra, sem):
        pltpu.make_async_copy(emb_c.at[idx_s.at[c]], rc, sem).wait()
        pltpu.make_async_copy(emb_a.at[idx_d.at[c]], ra, sem).wait()

    for src_r, dst_r, out_hbm in ((pos_src, pos_dst, pos_out),
                                  (neg_src, neg_dst, neg_out)):
        pltpu.sync_copy(src_r.at[wid], idx_s)
        pltpu.sync_copy(dst_r.at[wid], idx_d)
        start(0, rc0, ra0, sem0)

        def pair(i, _):
            c0 = 2 * i
            wait(c0, rc0, ra0, sem0)
            start(c0 + 1, rc1, ra1, sem1)
            _compute_chunk(rc0, ra0, out_v, c0 * CH)
            wait(c0 + 1, rc1, ra1, sem1)
            start(c0 + 2, rc0, ra0, sem0)
            _compute_chunk(rc1, ra1, out_v, (c0 + 1) * CH)
            return 0

        lax.fori_loop(0, NPAIR, pair, 0)
        wait(NCHUNK - 1, rc0, ra0, sem0)
        _compute_chunk(rc0, ra0, out_v, (NCHUNK - 1) * CH)
        pltpu.sync_copy(out_v, out_hbm.at[pl.ds(wid * PER_W, PER_W)])


_sds = jax.ShapeDtypeStruct((E,), jnp.float32)

_sc_call = functools.partial(
    pl.kernel,
    out_type=(_sds, _sds),
    mesh=plsc.VectorSubcoreMesh(core_axis_name="c", subcore_axis_name="s"),
    compiler_params=pltpu.CompilerParams(needs_layout_passes=False, use_tc_tiling_on_sc=True),
    scratch_types=[
        pltpu.VMEM((NCHUNK, CH), jnp.int32),
        pltpu.VMEM((NCHUNK, CH), jnp.int32),
        pltpu.VMEM((CH, D), jnp.float32),
        pltpu.VMEM((CH, D), jnp.float32),
        pltpu.VMEM((CH, D), jnp.float32),
        pltpu.VMEM((CH, D), jnp.float32),
        pltpu.VMEM((PER_W,), jnp.float32),
        pltpu.SemaphoreType.DMA,
        pltpu.SemaphoreType.DMA,
    ],
)(_body)


@jax.jit
def kernel(emb_customer, emb_article, pos_src, pos_dst, neg_src, neg_dst):
    shape = (NW, NCHUNK, CH)
    return _sc_call(
        pos_src.reshape(shape), pos_dst.reshape(shape),
        neg_src.reshape(shape), neg_dst.reshape(shape),
        emb_customer, emb_article,
    )

# --- scband reference (transcript-rebuilt; emitter-appended) ---
"""Pipeline reference for scband-conv-model-56710748176448 (READ-ONLY COPY).

The authoritative reference and input builder live on the scoring server;
editing this copy changes nothing except your own understanding.
"""

import jax, jax.numpy as jnp
import numpy as np

N_C, N_A, D, E = 50000, 50000, 128, 320000

def setup_inputs(seed: int = 0) -> dict:
    key = jax.random.key(seed)
    ks = jax.random.split(key, 6)
    return {
        "emb_customer": jax.random.normal(ks[0], (N_C, D), dtype=jnp.float32),
        "emb_article": jax.random.normal(ks[1], (N_A, D), dtype=jnp.float32),
        "pos_src": jax.random.randint(ks[2], (E,), 0, N_C, dtype=jnp.int32),
        "pos_dst": jax.random.randint(ks[3], (E,), 0, N_A, dtype=jnp.int32),
        "neg_src": jax.random.randint(ks[4], (E,), 0, N_C, dtype=jnp.int32),
        "neg_dst": jax.random.randint(ks[5], (E,), 0, N_A, dtype=jnp.int32),
    }

def _edge_cosine(emb_customer, emb_article, src, dst):
    # gather node embeddings by global node IDs (pos_g/neg_g _ID lookup)
    h_c = jnp.take(emb_customer, src, axis=0)
    h_a = jnp.take(emb_article, dst, axis=0)
    # CosinePrediction: per-edge cosine similarity between endpoint embeddings
    num = jnp.sum(h_c * h_a, axis=-1)
    den = jnp.linalg.norm(h_c, axis=-1) * jnp.linalg.norm(h_a, axis=-1)
    return num / (den + 1e-8)

def reference(emb_customer, emb_article, pos_src, pos_dst, neg_src, neg_dst):
    # forward(): write gathered embeddings into pos_g/neg_g node data, then score
    pos_score = _edge_cosine(emb_customer, emb_article, pos_src, pos_dst)
    neg_score = _edge_cosine(emb_customer, emb_article, neg_src, neg_dst)
    return (pos_score, neg_score)

if __name__ == "__main__":
    import jax
    _d = setup_inputs()
    print(jax.jit(kernel)(*tuple(_d.values())))

</pallas_src>

<mosaic_0001>
#map = affine_map<(d0, d1) -> (0, 0, 0)>
#map1 = affine_map<(d0, d1) -> (0, 0)>
#map2 = affine_map<(d0, d1) -> (0)>
module attributes {stable_mosaic.version = 14 : i64} {
  func.func @_body(%arg0: i32, %arg1: i32, %arg2: memref<32x125x80xi32, #tpu.memory_space<hbm>>, %arg3: memref<32x125x80xi32, #tpu.memory_space<hbm>>, %arg4: memref<32x125x80xi32, #tpu.memory_space<hbm>>, %arg5: memref<32x125x80xi32, #tpu.memory_space<hbm>>, %arg6: memref<50000x128xf32, #tpu.memory_space<hbm>>, %arg7: memref<50000x128xf32, #tpu.memory_space<hbm>>, %arg8: memref<320000xf32, #tpu.memory_space<hbm>>, %arg9: memref<320000xf32, #tpu.memory_space<hbm>>, %arg10: memref<125x80xi32, #tpu.memory_space<vmem>>, %arg11: memref<125x80xi32, #tpu.memory_space<vmem>>, %arg12: memref<80x128xf32, #tpu.memory_space<vmem>>, %arg13: memref<80x128xf32, #tpu.memory_space<vmem>>, %arg14: memref<80x128xf32, #tpu.memory_space<vmem>>, %arg15: memref<80x128xf32, #tpu.memory_space<vmem>>, %arg16: memref<10000xf32, #tpu.memory_space<vmem>>, %arg17: memref<!tpu.dma_semaphore, #tpu.memory_space<semaphore_mem>>, %arg18: memref<!tpu.dma_semaphore, #tpu.memory_space<semaphore_mem>>) attributes {dimension_semantics = [#tpu.dimension_semantics<core_parallel>, #tpu.dimension_semantics<subcore_parallel>], iteration_bounds = array<i64: 2, 16>, scalar_prefetch = 0 : i64, scratch_operands = 9 : i64, tpu.core_type = #tpu.core_type<sc_vector_subcore>, window_params = [{transform_indices = #map}, {transform_indices = #map}, {transform_indices = #map}, {transform_indices = #map}, {transform_indices = #map1}, {transform_indices = #map1}, {transform_indices = #map2}, {transform_indices = #map2}]} {
    %mul3A = arith.constant 2 : i32
    %mul3A_0 = arith.muli %arg1, %mul3A : i32
    %add3A = arith.addi %mul3A_0, %arg0 : i32
    "tpu.region"() ({
      %run_scoped3A = tpu.sem_alloc : memref<!tpu.dma_semaphore, #tpu.memory_space<semaphore_mem>>
      %dma_start3A_86 = arith.constant 0 : i32
      %dma_start3A_87 = arith.constant 0 : i32
      %dma_start3A_88 = tpu.memref_slice %arg2[%add3A, %dma_start3A_86, %dma_start3A_87] : memref<32x125x80xi32, #tpu.memory_space<hbm>> -> memref<1x125x80xi32, #tpu.memory_space<hbm>>
      %dma_start3A_89 = tpu.memref_squeeze %dma_start3A_88 : memref<1x125x80xi32, #tpu.memory_space<hbm>> -> memref<125x80xi32, #tpu.memory_space<hbm>>
      %dma_start3A_90 = arith.constant 0 : i32
      %dma_start3A_91 = arith.constant 0 : i32
      %dma_start3A_92 = tpu.memref_slice %arg2[%add3A, %dma_start3A_90, %dma_start3A_91] : memref<32x125x80xi32, #tpu.memory_space<hbm>> -> memref<1x125x80xi32, #tpu.memory_space<hbm>>
      %dma_start3A_93 = tpu.memref_squeeze %dma_start3A_92 : memref<1x125x80xi32, #tpu.memory_space<hbm>> -> memref<125x80xi32, #tpu.memory_space<hbm>>
      tpu.enqueue_dma source(%dma_start3A_93 : memref<125x80xi32, #tpu.memory_space<hbm>>) target(%arg10 : memref<125x80xi32, #tpu.memory_space<vmem>>) target_semaphore(%run_scoped3A : memref<!tpu.dma_semaphore, #tpu.memory_space<semaphore_mem>>)
      %dma_wait3A_94 = arith.constant 0 : i32
      %dma_wait3A_95 = arith.constant 0 : i32
      %dma_wait3A_96 = tpu.memref_slice %arg2[%add3A, %dma_wait3A_94, %dma_wait3A_95] : memref<32x125x80xi32, #tpu.memory_space<hbm>> -> memref<1x125x80xi32, #tpu.memory_space<hbm>>
      %dma_wait3A_97 = tpu.memref_squeeze %dma_wait3A_96 : memref<1x125x80xi32, #tpu.memory_space<hbm>> -> memref<125x80xi32, #tpu.memory_space<hbm>>
      %dma_wait3A_98 = arith.constant 0 : i32
      %dma_wait3A_99 = arith.constant 0 : i32
      %dma_wait3A_100 = tpu.memref_slice %arg2[%add3A, %dma_wait3A_98, %dma_wait3A_99] : memref<32x125x80xi32, #tpu.memory_space<hbm>> -> memref<1x125x80xi32, #tpu.memory_space<hbm>>
      %dma_wait3A_101 = tpu.memref_squeeze %dma_wait3A_100 : memref<1x125x80xi32, #tpu.memory_space<hbm>> -> memref<125x80xi32, #tpu.memory_space<hbm>>
      tpu.wait_dma2 semaphore(%run_scoped3A : memref<!tpu.dma_semaphore, #tpu.memory_space<semaphore_mem>>) src(%dma_wait3A_101 : memref<125x80xi32, #tpu.memory_space<hbm>>) dst(%arg10 : memref<125x80xi32, #tpu.memory_space<vmem>>)
      tpu.yield
    }) : () -> ()
    "tpu.region"() ({
      %run_scoped3A = tpu.sem_alloc : memref<!tpu.dma_semaphore, #tpu.memory_space<semaphore_mem>>
      %dma_start3A_86 = arith.constant 0 : i32
      %dma_start3A_87 = arith.constant 0 : i32
      %dma_start3A_88 = tpu.memref_slice %arg3[%add3A, %dma_start3A_86, %dma_start3A_87] : memref<32x125x80xi32, #tpu.memory_space<hbm>> -> memref<1x125x80xi32, #tpu.memory_space<hbm>>
      %dma_start3A_89 = tpu.memref_squeeze %dma_start3A_88 : memref<1x125x80xi32, #tpu.memory_space<hbm>> -> memref<125x80xi32, #tpu.memory_space<hbm>>
      %dma_start3A_90 = arith.constant 0 : i32
      %dma_start3A_91 = arith.constant 0 : i32
      %dma_start3A_92 = tpu.memref_slice %arg3[%add3A, %dma_start3A_90, %dma_start3A_91] : memref<32x125x80xi32, #tpu.memory_space<hbm>> -> memref<1x125x80xi32, #tpu.memory_space<hbm>>
      %dma_start3A_93 = tpu.memref_squeeze %dma_start3A_92 : memref<1x125x80xi32, #tpu.memory_space<hbm>> -> memref<125x80xi32, #tpu.memory_space<hbm>>
      tpu.enqueue_dma source(%dma_start3A_93 : memref<125x80xi32, #tpu.memory_space<hbm>>) target(%arg11 : memref<125x80xi32, #tpu.memory_space<vmem>>) target_semaphore(%run_scoped3A : memref<!tpu.dma_semaphore, #tpu.memory_space<semaphore_mem>>)
      %dma_wait3A_94 = arith.constant 0 : i32
      %dma_wait3A_95 = arith.constant 0 : i32
      %dma_wait3A_96 = tpu.memref_slice %arg3[%add3A, %dma_wait3A_94, %dma_wait3A_95] : memref<32x125x80xi32, #tpu.memory_space<hbm>> -> memref<1x125x80xi32, #tpu.memory_space<hbm>>
      %dma_wait3A_97 = tpu.memref_squeeze %dma_wait3A_96 : memref<1x125x80xi32, #tpu.memory_space<hbm>> -> memref<125x80xi32, #tpu.memory_space<hbm>>
      %dma_wait3A_98 = arith.constant 0 : i32
      %dma_wait3A_99 = arith.constant 0 : i32
      %dma_wait3A_100 = tpu.memref_slice %arg3[%add3A, %dma_wait3A_98, %dma_wait3A_99] : memref<32x125x80xi32, #tpu.memory_space<hbm>> -> memref<1x125x80xi32, #tpu.memory_space<hbm>>
      %dma_wait3A_101 = tpu.memref_squeeze %dma_wait3A_100 : memref<1x125x80xi32, #tpu.memory_space<hbm>> -> memref<125x80xi32, #tpu.memory_space<hbm>>
      tpu.wait_dma2 semaphore(%run_scoped3A : memref<!tpu.dma_semaphore, #tpu.memory_space<semaphore_mem>>) src(%dma_wait3A_101 : memref<125x80xi32, #tpu.memory_space<hbm>>) dst(%arg11 : memref<125x80xi32, #tpu.memory_space<vmem>>)
      tpu.yield
    }) : () -> ()
    %dma_start3A = arith.constant 0 : i32
    %dma_start3A_1 = arith.constant 0 : i32
    %dma_start3A_2 = tpu.memref_slice %arg10[%dma_start3A, %dma_start3A_1] : memref<125x80xi32, #tpu.memory_space<vmem>> -> memref<1x80xi32, #tpu.memory_space<vmem>>
    %dma_start3A_3 = tpu.memref_squeeze %dma_start3A_2 : memref<1x80xi32, #tpu.memory_space<vmem>> -> memref<80xi32, #tpu.memory_space<vmem>>
    %dma_start3A_4 = arith.constant 0 : i32
    %dma_start3A_5 = arith.constant 0 : i32
    %dma_start3A_6 = tpu.memref_slice %arg6[%dma_start3A_4, %dma_start3A_5] : memref<50000x128xf32, #tpu.memory_space<hbm>> -> memref<50000x128xf32, #tpu.memory_space<hbm>>
    tpu.enqueue_indirect_dma source(%dma_start3A_6 : memref<50000x128xf32, #tpu.memory_space<hbm>>) target(%arg12 : memref<80x128xf32, #tpu.memory_space<vmem>>) offsets(%dma_start3A_3 : memref<80xi32, #tpu.memory_space<vmem>>) semaphore(%arg17 : memref<!tpu.dma_semaphore, #tpu.memory_space<semaphore_mem>>)
    %dma_start3A_7 = arith.constant 0 : i32
    %dma_start3A_8 = arith.constant 0 : i32
    %dma_start3A_9 = tpu.memref_slice %arg11[%dma_start3A_7, %dma_start3A_8] : memref<125x80xi32, #tpu.memory_space<vmem>> -> memref<1x80xi32, #tpu.memory_space<vmem>>
    %dma_start3A_10 = tpu.memref_squeeze %dma_start3A_9 : memref<1x80xi32, #tpu.memory_space<vmem>> -> memref<80xi32, #tpu.memory_space<vmem>>
    %dma_start3A_11 = arith.constant 0 : i32
    %dma_start3A_12 = arith.constant 0 : i32
    %dma_start3A_13 = tpu.memref_slice %arg7[%dma_start3A_11, %dma_start3A_12] : memref<50000x128xf32, #tpu.memory_space<hbm>> -> memref<50000x128xf32, #tpu.memory_space<hbm>>
    tpu.enqueue_indirect_dma source(%dma_start3A_13 : memref<50000x128xf32, #tpu.memory_space<hbm>>) target(%arg14 : memref<80x128xf32, #tpu.memory_space<vmem>>) offsets(%dma_start3A_10 : memref<80xi32, #tpu.memory_space<vmem>>) semaphore(%arg17 : memref<!tpu.dma_semaphore, #tpu.memory_space<semaphore_mem>>)
    %scan3A = arith.constant 0 : i32
    %scan3A_14 = arith.constant 0 : i32
    %scan3A_15 = arith.constant 62 : i32
    %scan3A_16 = arith.addi %scan3A_14, %scan3A_15 : i32
    %scan3A_17 = arith.constant 1 : i32
    %scan3A_18 = scf.for %scan3A_86 = %scan3A_14 to %scan3A_16 step %scan3A_17 iter_args(%scan3A_87 = %scan3A) -> (i32)  : i32 {
      %mul3A_88 = arith.constant 2 : i32
      %mul3A_89 = arith.muli %mul3A_88, %scan3A_86 : i32
      %dma_wait3A_90 = arith.constant 0 : i32
      %dma_wait3A_91 = tpu.memref_slice %arg10[%mul3A_89, %dma_wait3A_90] : memref<125x80xi32, #tpu.memory_space<vmem>> -> memref<1x80xi32, #tpu.memory_space<vmem>>
      %dma_wait3A_92 = tpu.memref_squeeze %dma_wait3A_91 : memref<1x80xi32, #tpu.memory_space<vmem>> -> memref<80xi32, #tpu.memory_space<vmem>>
      %dma_wait3A_93 = arith.constant 0 : i32
      %dma_wait3A_94 = arith.constant 0 : i32
      %dma_wait3A_95 = tpu.memref_slice %arg6[%dma_wait3A_93, %dma_wait3A_94] : memref<50000x128xf32, #tpu.memory_space<hbm>> -> memref<50000x128xf32, #tpu.memory_space<hbm>>
      tpu.wait_indirect_dma semaphore(%arg17 : memref<!tpu.dma_semaphore, #tpu.memory_space<semaphore_mem>>) src(%dma_wait3A_95 : memref<50000x128xf32, #tpu.memory_space<hbm>>) dst(%arg12 : memref<80x128xf32, #tpu.memory_space<vmem>>)
      %dma_wait3A_96 = arith.constant 0 : i32
      %dma_wait3A_97 = tpu.memref_slice %arg11[%mul3A_89, %dma_wait3A_96] : memref<125x80xi32, #tpu.memory_space<vmem>> -> memref<1x80xi32, #tpu.memory_space<vmem>>
      %dma_wait3A_98 = tpu.memref_squeeze %dma_wait3A_97 : memref<1x80xi32, #tpu.memory_space<vmem>> -> memref<80xi32, #tpu.memory_space<vmem>>
      %dma_wait3A_99 = arith.constant 0 : i32
      %dma_wait3A_100 = arith.constant 0 : i32
      %dma_wait3A_101 = tpu.memref_slice %arg7[%dma_wait3A_99, %dma_wait3A_100] : memref<50000x128xf32, #tpu.memory_space<hbm>> -> memref<50000x128xf32, #tpu.memory_space<hbm>>
      tpu.wait_indirect_dma semaphore(%arg17 : memref<!tpu.dma_semaphore, #tpu.memory_space<semaphore_mem>>) src(%dma_wait3A_101 : memref<50000x128xf32, #tpu.memory_space<hbm>>) dst(%arg14 : memref<80x128xf32, #tpu.memory_space<vmem>>)
      %add3A_102 = arith.constant 1 : i32
      %add3A_103 = arith.addi %mul3A_89, %add3A_102 : i32
      %dma_start3A_104 = arith.constant 0 : i32
      %dma_start3A_105 = tpu.memref_slice %arg10[%add3A_103, %dma_start3A_104] : memref<125x80xi32, #tpu.memory_space<vmem>> -> memref<1x80xi32, #tpu.memory_space<vmem>>
      %dma_start3A_106 = tpu.memref_squeeze %dma_start3A_105 : memref<1x80xi32, #tpu.memory_space<vmem>> -> memref<80xi32, #tpu.memory_space<vmem>>
      %dma_start3A_107 = arith.constant 0 : i32
      %dma_start3A_108 = arith.constant 0 : i32
      %dma_start3A_109 = tpu.memref_slice %arg6[%dma_start3A_107, %dma_start3A_108] : memref<50000x128xf32, #tpu.memory_space<hbm>> -> memref<50000x128xf32, #tpu.memory_space<hbm>>
      tpu.enqueue_indirect_dma source(%dma_start3A_109 : memref<50000x128xf32, #tpu.memory_space<hbm>>) target(%arg13 : memref<80x128xf32, #tpu.memory_space<vmem>>) offsets(%dma_start3A_106 : memref<80xi32, #tpu.memory_space<vmem>>) semaphore(%arg18 : memref<!tpu.dma_semaphore, #tpu.memory_space<semaphore_mem>>)
      %dma_start3A_110 = arith.constant 0 : i32
      %dma_start3A_111 = tpu.memref_slice %arg11[%add3A_103, %dma_start3A_110] : memref<125x80xi32, #tpu.memory_space<vmem>> -> memref<1x80xi32, #tpu.memory_space<vmem>>
      %dma_start3A_112 = tpu.memref_squeeze %dma_start3A_111 : memref<1x80xi32, #tpu.memory_space<vmem>> -> memref<80xi32, #tpu.memory_space<vmem>>
      %dma_start3A_113 = arith.constant 0 : i32
      %dma_start3A_114 = arith.constant 0 : i32
      %dma_start3A_115 = tpu.memref_slice %arg7[%dma_start3A_113, %dma_start3A_114] : memref<50000x128xf32, #tpu.memory_space<hbm>> -> memref<50000x128xf32, #tpu.memory_space<hbm>>
      tpu.enqueue_indirect_dma source(%dma_start3A_115 : memref<50000x128xf32, #tpu.memory_space<hbm>>) target(%arg15 : memref<80x128xf32, #tpu.memory_space<vmem>>) offsets(%dma_start3A_112 : memref<80xi32, #tpu.memory_space<vmem>>) semaphore(%arg18 : memref<!tpu.dma_semaphore, #tpu.memory_space<semaphore_mem>>)
      %mul3A_116 = arith.constant 80 : i32
      %mul3A_117 = arith.muli %mul3A_89, %mul3A_116 : i32
      %scan3A_118 = arith.constant 0 : i32
      %scan3A_119 = arith.constant 0 : i32
      %scan3A_120 = arith.constant 5 : i32
      %scan3A_121 = arith.addi %scan3A_119, %scan3A_120 : i32
      %scan3A_122 = arith.constant 1 : i32
      %scan3A_123 = scf.for %scan3A_165 = %scan3A_119 to %scan3A_121 step %scan3A_122 iter_args(%scan3A_166 = %scan3A_118) -> (i32)  : i32 {
        %iota3A = tpu.iota {dimensions = array<i32: 0>} : vector<16xi32>
        %mul3A_167 = arith.constant 16 : i32
        %mul3A_168 = arith.muli %scan3A_165, %mul3A_167 : i32
        %add3A_169 = vector.broadcast %mul3A_168 : i32 to vector<16xi32>
        %add3A_170 = arith.addi %iota3A, %add3A_169 : vector<16xi32>
        %broadcast_in_dim3A = arith.constant 0.000000e+00 : f32
        %broadcast_in_dim3A_171 = vector.broadcast %broadcast_in_dim3A : f32 to vector<16xf32>
        %scan3A_172 = arith.constant 0 : i32
        %scan3A_173 = arith.constant 128 : i32
        %scan3A_174 = arith.addi %scan3A_172, %scan3A_173 : i32
        %scan3A_175 = arith.constant 4 : i32
        %scan3A_176:3 = scf.for %scan3A_261 = %scan3A_172 to %scan3A_174 step %scan3A_175 iter_args(%scan3A_262 = %broadcast_in_dim3A_171, %scan3A_263 = %broadcast_in_dim3A_171, %scan3A_264 = %broadcast_in_dim3A_171) -> (vector<16xf32>, vector<16xf32>, vector<16xf32>)  : i32 {
          %add3A_265 = vector.broadcast %scan3A_261 : i32 to vector<16xi32>
          %add3A_266 = arith.addi %iota3A, %add3A_265 : vector<16xi32>
          %and3A = arith.constant 127 : i32
          %and3A_267 = vector.broadcast %and3A : i32 to vector<16xi32>
          %and3A_268 = arith.andi %add3A_266, %and3A_267 : vector<16xi32>
          %gather3A = tpu.vector_load_idx %arg12[%add3A_170, %and3A_268] : memref<80x128xf32, #tpu.memory_space<vmem>>[vector<16xi32>, vector<16xi32>], vector<16xf32>,
          %gather3A_269 = tpu.vector_load_idx %arg14[%add3A_170, %and3A_268] : memref<80x128xf32, #tpu.memory_space<vmem>>[vector<16xi32>, vector<16xi32>], vector<16xf32>,
          %mul3A_270 = arith.mulf %gather3A, %gather3A_269 : vector<16xf32>
          %add3A_271 = arith.addf %scan3A_262, %mul3A_270 : vector<16xf32>
          %mul3A_272 = arith.mulf %gather3A, %gather3A : vector<16xf32>
          %add3A_273 = arith.addf %scan3A_263, %mul3A_272 : vector<16xf32>
          %mul3A_274 = arith.mulf %gather3A_269, %gather3A_269 : vector<16xf32>
          %add3A_275 = arith.addf %scan3A_264, %mul3A_274 : vector<16xf32>
          %scan3A_276 = arith.constant 1 : i32
          %scan3A_277 = arith.addi %scan3A_261, %scan3A_276 : i32
          %add3A_278 = vector.broadcast %scan3A_277 : i32 to vector<16xi32>
          %add3A_279 = arith.addi %iota3A, %add3A_278 : vector<16xi32>
          %and3A_280 = arith.constant 127 : i32
          %and3A_281 = vector.broadcast %and3A_280 : i32 to vector<16xi32>
          %and3A_282 = arith.andi %add3A_279, %and3A_281 : vector<16xi32>
          %gather3A_283 = tpu.vector_load_idx %arg12[%add3A_170, %and3A_282] : memref<80x128xf32, #tpu.memory_space<vmem>>[vector<16xi32>, vector<16xi32>], vector<16xf32>,
          %gather3A_284 = tpu.vector_load_idx %arg14[%add3A_170, %and3A_282] : memref<80x128xf32, #tpu.memory_space<vmem>>[vector<16xi32>, vector<16xi32>], vector<16xf32>,
          %mul3A_285 = arith.mulf %gather3A_283, %gather3A_284 : vector<16xf32>
          %add3A_286 = arith.addf %add3A_271, %mul3A_285 : vector<16xf32>
          %mul3A_287 = arith.mulf %gather3A_283, %gather3A_283 : vector<16xf32>
          %add3A_288 = arith.addf %add3A_273, %mul3A_287 : vector<16xf32>
          %mul3A_289 = arith.mulf %gather3A_284, %gather3A_284 : vector<16xf32>
          %add3A_290 = arith.addf %add3A_275, %mul3A_289 : vector<16xf32>
          %scan3A_291 = arith.constant 2 : i32
          %scan3A_292 = arith.addi %scan3A_261, %scan3A_291 : i32
          %add3A_293 = vector.broadcast %scan3A_292 : i32 to vector<16xi32>
          %add3A_294 = arith.addi %iota3A, %add3A_293 : vector<16xi32>
          %and3A_295 = arith.constant 127 : i32
          %and3A_296 = vector.broadcast %and3A_295 : i32 to vector<16xi32>
          %and3A_297 = arith.andi %add3A_294, %and3A_296 : vector<16xi32>
          %gather3A_298 = tpu.vector_load_idx %arg12[%add3A_170, %and3A_297] : memref<80x128xf32, #tpu.memory_space<vmem>>[vector<16xi32>, vector<16xi32>], vector<16xf32>,
          %gather3A_299 = tpu.vector_load_idx %arg14[%add3A_170, %and3A_297] : memref<80x128xf32, #tpu.memory_space<vmem>>[vector<16xi32>, vector<16xi32>], vector<16xf32>,
          %mul3A_300 = arith.mulf %gather3A_298, %gather3A_299 : vector<16xf32>
          %add3A_301 = arith.addf %add3A_286, %mul3A_300 : vector<16xf32>
          %mul3A_302 = arith.mulf %gather3A_298, %gather3A_298 : vector<16xf32>
          %add3A_303 = arith.addf %add3A_288, %mul3A_302 : vector<16xf32>
          %mul3A_304 = arith.mulf %gather3A_299, %gather3A_299 : vector<16xf32>
          %add3A_305 = arith.addf %add3A_290, %mul3A_304 : vector<16xf32>
          %scan3A_306 = arith.constant 3 : i32
          %scan3A_307 = arith.addi %scan3A_261, %scan3A_306 : i32
          %add3A_308 = vector.broadcast %scan3A_307 : i32 to vector<16xi32>
          %add3A_309 = arith.addi %iota3A, %add3A_308 : vector<16xi32>
          %and3A_310 = arith.constant 127 : i32
          %and3A_311 = vector.broadcast %and3A_310 : i32 to vector<16xi32>
          %and3A_312 = arith.andi %add3A_309, %and3A_311 : vector<16xi32>
          %gather3A_313 = tpu.vector_load_idx %arg12[%add3A_170, %and3A_312] : memref<80x128xf32, #tpu.memory_space<vmem>>[vector<16xi32>, vector<16xi32>], vector<16xf32>,
          %gather3A_314 = tpu.vector_load_idx %arg14[%add3A_170, %and3A_312] : memref<80x128xf32, #tpu.memory_space<vmem>>[vector<16xi32>, vector<16xi32>], vector<16xf32>,
          %mul3A_315 = arith.mulf %gather3A_313, %gather3A_314 : vector<16xf32>
          %add3A_316 = arith.addf %add3A_301, %mul3A_315 : vector<16xf32>
          %mul3A_317 = arith.mulf %gather3A_313, %gather3A_313 : vector<16xf32>
          %add3A_318 = arith.addf %add3A_303, %mul3A_317 : vector<16xf32>
          %mul3A_319 = arith.mulf %gather3A_314, %gather3A_314 : vector<16xf32>
          %add3A_320 = arith.addf %add3A_305, %mul3A_319 : vector<16xf32>
          scf.yield %add3A_316, %add3A_318, %add3A_320 : vector<16xf32>, vector<16xf32>, vector<16xf32>
        }
        %scan3A_177 = arith.constant 128 : i32
        %max3A = arith.constant 1.000000e-35 : f32
        %max3A_178 = vector.broadcast %max3A : f32 to vector<16xf32>
        %max3A_179 = arith.maximumf %scan3A_176#1, %max3A_178 : vector<16xf32>
        %max3A_180 = arith.constant 1.000000e-35 : f32
        %max3A_181 = vector.broadcast %max3A_180 : f32 to vector<16xf32>
        %max3A_182 = arith.maximumf %scan3A_176#2, %max3A_181 : vector<16xf32>
        %bitcast3A = vector.bitcast %max3A_179 : vector<16xf32> to vector<16xi32>
        %shift_right_arithmetic3A = arith.constant 1 : i32
        %shift_right_arithmetic3A_183 = vector.broadcast %shift_right_arithmetic3A : i32 to vector<16xi32>
        %shift_right_arithmetic3A_184 = arith.shrsi %bitcast3A, %shift_right_arithmetic3A_183 : vector<16xi32>
        %sub3A = arith.constant 1597463007 : i32
        %sub3A_185 = vector.broadcast %sub3A : i32 to vector<16xi32>
        %sub3A_186 = arith.subi %sub3A_185, %shift_right_arithmetic3A_184 : vector<16xi32>
        %bitcast3A_187 = vector.bitcast %sub3A_186 : vector<16xi32> to vector<16xf32>
        %mul3A_188 = arith.constant 5.000000e-01 : f32
        %mul3A_189 = vector.broadcast %mul3A_188 : f32 to vector<16xf32>
        %mul3A_190 = arith.mulf %mul3A_189, %max3A_179 : vector<16xf32>
        %mul3A_191 = arith.mulf %mul3A_190, %bitcast3A_187 : vector<16xf32>
        %mul3A_192 = arith.mulf %mul3A_191, %bitcast3A_187 : vector<16xf32>
        %sub3A_193 = arith.constant 1.500000e+00 : f32
        %sub3A_194 = vector.broadcast %sub3A_193 : f32 to vector<16xf32>
        %sub3A_195 = arith.subf %sub3A_194, %mul3A_192 : vector<16xf32>
        %mul3A_196 = arith.mulf %bitcast3A_187, %sub3A_195 : vector<16xf32>
        %mul3A_197 = arith.constant 5.000000e-01 : f32
        %mul3A_198 = vector.broadcast %mul3A_197 : f32 to vector<16xf32>
        %mul3A_199 = arith.mulf %mul3A_198, %max3A_179 : vector<16xf32>
        %mul3A_200 = arith.mulf %mul3A_199, %mul3A_196 : vector<16xf32>
        %mul3A_201 = arith.mulf %mul3A_200, %mul3A_196 : vector<16xf32>
        %sub3A_202 = arith.constant 1.500000e+00 : f32
        %sub3A_203 = vector.broadcast %sub3A_202 : f32 to vector<16xf32>
        %sub3A_204 = arith.subf %sub3A_203, %mul3A_201 : vector<16xf32>
        %mul3A_205 = arith.mulf %mul3A_196, %sub3A_204 : vector<16xf32>
        %mul3A_206 = arith.constant 5.000000e-01 : f32
        %mul3A_207 = vector.broadcast %mul3A_206 : f32 to vector<16xf32>
        %mul3A_208 = arith.mulf %mul3A_207, %max3A_179 : vector<16xf32>
        %mul3A_209 = arith.mulf %mul3A_208, %mul3A_205 : vector<16xf32>
        %mul3A_210 = arith.mulf %mul3A_209, %mul3A_205 : vector<16xf32>
        %sub3A_211 = arith.constant 1.500000e+00 : f32
        %sub3A_212 = vector.broadcast %sub3A_211 : f32 to vector<16xf32>
        %sub3A_213 = arith.subf %sub3A_212, %mul3A_210 : vector<16xf32>
        %mul3A_214 = arith.mulf %mul3A_205, %sub3A_213 : vector<16xf32>
        %mul3A_215 = arith.mulf %max3A_179, %mul3A_214 : vector<16xf32>
        %bitcast3A_216 = vector.bitcast %max3A_182 : vector<16xf32> to vector<16xi32>
        %shift_right_arithmetic3A_217 = arith.constant 1 : i32
        %shift_right_arithmetic3A_218 = vector.broadcast %shift_right_arithmetic3A_217 : i32 to vector<16xi32>
        %shift_right_arithmetic3A_219 = arith.shrsi %bitcast3A_216, %shift_right_arithmetic3A_218 : vector<16xi32>
        %sub3A_220 = arith.constant 1597463007 : i32
        %sub3A_221 = vector.broadcast %sub3A_220 : i32 to vector<16xi32>
        %sub3A_222 = arith.subi %sub3A_221, %shift_right_arithmetic3A_219 : vector<16xi32>
        %bitcast3A_223 = vector.bitcast %sub3A_222 : vector<16xi32> to vector<16xf32>
        %mul3A_224 = arith.constant 5.000000e-01 : f32
        %mul3A_225 = vector.broadcast %mul3A_224 : f32 to vector<16xf32>
        %mul3A_226 = arith.mulf %mul3A_225, %max3A_182 : vector<16xf32>
        %mul3A_227 = arith.mulf %mul3A_226, %bitcast3A_223 : vector<16xf32>
        %mul3A_228 = arith.mulf %mul3A_227, %bitcast3A_223 : vector<16xf32>
        %sub3A_229 = arith.constant 1.500000e+00 : f32
        %sub3A_230 = vector.broadcast %sub3A_229 : f32 to vector<16xf32>
        %sub3A_231 = arith.subf %sub3A_230, %mul3A_228 : vector<16xf32>
        %mul3A_232 = arith.mulf %bitcast3A_223, %sub3A_231 : vector<16xf32>
        %mul3A_233 = arith.constant 5.000000e-01 : f32
        %mul3A_234 = vector.broadcast %mul3A_233 : f32 to vector<16xf32>
        %mul3A_235 = arith.mulf %mul3A_234, %max3A_182 : vector<16xf32>
        %mul3A_236 = arith.mulf %mul3A_235, %mul3A_232 : vector<16xf32>
        %mul3A_237 = arith.mulf %mul3A_236, %mul3A_232 : vector<16xf32>
        %sub3A_238 = arith.constant 1.500000e+00 : f32
        %sub3A_239 = vector.broadcast %sub3A_238 : f32 to vector<16xf32>
        %sub3A_240 = arith.subf %sub3A_239, %mul3A_237 : vector<16xf32>
        %mul3A_241 = arith.mulf %mul3A_232, %sub3A_240 : vector<16xf32>
        %mul3A_242 = arith.constant 5.000000e-01 : f32
        %mul3A_243 = vector.broadcast %mul3A_242 : f32 to vector<16xf32>
        %mul3A_244 = arith.mulf %mul3A_243, %max3A_182 : vector<16xf32>
        %mul3A_245 = arith.mulf %mul3A_244, %mul3A_241 : vector<16xf32>
        %mul3A_246 = arith.mulf %mul3A_245, %mul3A_241 : vector<16xf32>
        %sub3A_247 = arith.constant 1.500000e+00 : f32
        %sub3A_248 = vector.broadcast %sub3A_247 : f32 to vector<16xf32>
        %sub3A_249 = arith.subf %sub3A_248, %mul3A_246 : vector<16xf32>
        %mul3A_250 = arith.mulf %mul3A_241, %sub3A_249 : vector<16xf32>
        %mul3A_251 = arith.mulf %max3A_182, %mul3A_250 : vector<16xf32>
        %mul3A_252 = arith.mulf %mul3A_215, %mul3A_251 : vector<16xf32>
        %add3A_253 = arith.constant 9.99999993E-9 : f32
        %add3A_254 = vector.broadcast %add3A_253 : f32 to vector<16xf32>
        %add3A_255 = arith.addf %mul3A_252, %add3A_254 : vector<16xf32>
        %div3A = arith.divf %scan3A_176#0, %add3A_255 : vector<16xf32>
        %mul3A_256 = arith.constant 16 : i32
        %mul3A_257 = arith.muli %scan3A_165, %mul3A_256 : i32
        %add3A_258 = arith.addi %mul3A_117, %mul3A_257 : i32
        %swap3A = arith.index_cast %add3A_258 : i32 to index
        %swap3A_259 = tpu.vector_load %arg16[%swap3A] {strides = array<i32>} : memref<10000xf32, #tpu.memory_space<vmem>>, vector<16xf32>,
        tpu.vector_store %arg16[%swap3A], %div3A {strides = array<i32>} : memref<10000xf32, #tpu.memory_space<vmem>>, vector<16xf32>,
        %scan3A_260 = arith.constant 0 : i32
        scf.yield %scan3A_260 : i32
      }
      %scan3A_124 = arith.constant 5 : i32
      %add3A_125 = arith.constant 1 : i32
      %add3A_126 = arith.addi %mul3A_89, %add3A_125 : i32
      %dma_wait3A_127 = arith.constant 0 : i32
      %dma_wait3A_128 = tpu.memref_slice %arg10[%add3A_126, %dma_wait3A_127] : memref<125x80xi32, #tpu.memory_space<vmem>> -> memref<1x80xi32, #tpu.memory_space<vmem>>
      %dma_wait3A_129 = tpu.memref_squeeze %dma_wait3A_128 : memref<1x80xi32, #tpu.memory_space<vmem>> -> memref<80xi32, #tpu.memory_space<vmem>>
      %dma_wait3A_130 = arith.constant 0 : i32
      %dma_wait3A_131 = arith.constant 0 : i32
      %dma_wait3A_132 = tpu.memref_slice %arg6[%dma_wait3A_130, %dma_wait3A_131] : memref<50000x128xf32, #tpu.memory_space<hbm>> -> memref<50000x128xf32, #tpu.memory_space<hbm>>
      tpu.wait_indirect_dma semaphore(%arg18 : memref<!tpu.dma_semaphore, #tpu.memory_space<semaphore_mem>>) src(%dma_wait3A_132 : memref<50000x128xf32, #tpu.memory_space<hbm>>) dst(%arg13 : memref<80x128xf32, #tpu.memory_space<vmem>>)
      %dma_wait3A_133 = arith.constant 0 : i32
      %dma_wait3A_134 = tpu.memref_slice %arg11[%add3A_126, %dma_wait3A_133] : memref<125x80xi32, #tpu.memory_space<vmem>> -> memref<1x80xi32, #tpu.memory_space<vmem>>
      %dma_wait3A_135 = tpu.memref_squeeze %dma_wait3A_134 : memref<1x80xi32, #tpu.memory_space<vmem>> -> memref<80xi32, #tpu.memory_space<vmem>>
      %dma_wait3A_136 = arith.constant 0 : i32
      %dma_wait3A_137 = arith.constant 0 : i32
      %dma_wait3A_138 = tpu.memref_slice %arg7[%dma_wait3A_136, %dma_wait3A_137] : memref<50000x128xf32, #tpu.memory_space<hbm>> -> memref<50000x128xf32, #tpu.memory_space<hbm>>
      tpu.wait_indirect_dma semaphore(%arg18 : memref<!tpu.dma_semaphore, #tpu.memory_space<semaphore_mem>>) src(%dma_wait3A_138 : memref<50000x128xf32, #tpu.memory_space<hbm>>) dst(%arg15 : memref<80x128xf32, #tpu.memory_space<vmem>>)
      %add3A_139 = arith.constant 2 : i32
      %add3A_140 = arith.addi %mul3A_89, %add3A_139 : i32
      %dma_start3A_141 = arith.constant 0 : i32
      %dma_start3A_142 = tpu.memref_slice %arg10[%add3A_140, %dma_start3A_141] : memref<125x80xi32, #tpu.memory_space<vmem>> -> memref<1x80xi32, #tpu.memory_space<vmem>>
      %dma_start3A_143 = tpu.memref_squeeze %dma_start3A_142 : memref<1x80xi32, #tpu.memory_space<vmem>> -> memref<80xi32, #tpu.memory_space<vmem>>
      %dma_start3A_144 = arith.constant 0 : i32
      %dma_start3A_145 = arith.constant 0 : i32
      %dma_start3A_146 = tpu.memref_slice %arg6[%dma_start3A_144, %dma_start3A_145] : memref<50000x128xf32, #tpu.memory_space<hbm>> -> memref<50000x128xf32, #tpu.memory_space<hbm>>
      tpu.enqueue_indirect_dma source(%dma_start3A_146 : memref<50000x128xf32, #tpu.memory_space<hbm>>) target(%arg12 : memref<80x128xf32, #tpu.memory_space<vmem>>) offsets(%dma_start3A_143 : memref<80xi32, #tpu.memory_space<vmem>>) semaphore(%arg17 : memref<!tpu.dma_semaphore, #tpu.memory_space<semaphore_mem>>)
      %dma_start3A_147 = arith.constant 0 : i32
      %dma_start3A_148 = tpu.memref_slice %arg11[%add3A_140, %dma_start3A_147] : memref<125x80xi32, #tpu.memory_space<vmem>> -> memref<1x80xi32, #tpu.memory_space<vmem>>
      %dma_start3A_149 = tpu.memref_squeeze %dma_start3A_148 : memref<1x80xi32, #tpu.memory_space<vmem>> -> memref<80xi32, #tpu.memory_space<vmem>>
      %dma_start3A_150 = arith.constant 0 : i32
      %dma_start3A_151 = arith.constant 0 : i32
      %dma_start3A_152 = tpu.memref_slice %arg7[%dma_start3A_150, %dma_start3A_151] : memref<50000x128xf32, #tpu.memory_space<hbm>> -> memref<50000x128xf32, #tpu.memory_space<hbm>>
      tpu.enqueue_indirect_dma source(%dma_start3A_152 : memref<50000x128xf32, #tpu.memory_space<hbm>>) target(%arg14 : memref<80x128xf32, #tpu.memory_space<vmem>>) offsets(%dma_start3A_149 : memref<80xi32, #tpu.memory_space<vmem>>) semaphore(%arg17 : memref<!tpu.dma_semaphore, #tpu.memory_space<semaphore_mem>>)
      %add3A_153 = arith.constant 1 : i32
      %add3A_154 = arith.addi %mul3A_89, %add3A_153 : i32
      %mul3A_155 = arith.constant 80 : i32
      %mul3A_156 = arith.muli %add3A_154, %mul3A_155 : i32
      %scan3A_157 = arith.constant 0 : i32
      %scan3A_158 = arith.constant 0 : i32
      %scan3A_159 = arith.constant 5 : i32
      %scan3A_160 = arith.addi %scan3A_158, %scan3A_159 : i32
      %scan3A_161 = arith.constant 1 : i32
      %scan3A_162 = scf.for %scan3A_165 = %scan3A_158 to %scan3A_160 step %scan3A_161 iter_args(%scan3A_166 = %scan3A_157) -> (i32)  : i32 {
        %iota3A = tpu.iota {dimensions = array<i32: 0>} : vector<16xi32>
        %mul3A_167 = arith.constant 16 : i32
        %mul3A_168 = arith.muli %scan3A_165, %mul3A_167 : i32
        %add3A_169 = vector.broadcast %mul3A_168 : i32 to vector<16xi32>
        %add3A_170 = arith.addi %iota3A, %add3A_169 : vector<16xi32>
        %broadcast_in_dim3A = arith.constant 0.000000e+00 : f32
        %broadcast_in_dim3A_171 = vector.broadcast %broadcast_in_dim3A : f32 to vector<16xf32>
        %scan3A_172 = arith.constant 0 : i32
        %scan3A_173 = arith.constant 128 : i32
        %scan3A_174 = arith.addi %scan3A_172, %scan3A_173 : i32
        %scan3A_175 = arith.constant 4 : i32
        %scan3A_176:3 = scf.for %scan3A_261 = %scan3A_172 to %scan3A_174 step %scan3A_175 iter_args(%scan3A_262 = %broadcast_in_dim3A_171, %scan3A_263 = %broadcast_in_dim3A_171, %scan3A_264 = %broadcast_in_dim3A_171) -> (vector<16xf32>, vector<16xf32>, vector<16xf32>)  : i32 {
          %add3A_265 = vector.broadcast %scan3A_261 : i32 to vector<16xi32>
          %add3A_266 = arith.addi %iota3A, %add3A_265 : vector<16xi32>
          %and3A = arith.constant 127 : i32
          %and3A_267 = vector.broadcast %and3A : i32 to vector<16xi32>
          %and3A_268 = arith.andi %add3A_266, %and3A_267 : vector<16xi32>
          %gather3A = tpu.vector_load_idx %arg13[%add3A_170, %and3A_268] : memref<80x128xf32, #tpu.memory_space<vmem>>[vector<16xi32>, vector<16xi32>], vector<16xf32>,
          %gather3A_269 = tpu.vector_load_idx %arg15[%add3A_170, %and3A_268] : memref<80x128xf32, #tpu.memory_space<vmem>>[vector<16xi32>, vector<16xi32>], vector<16xf32>,
          %mul3A_270 = arith.mulf %gather3A, %gather3A_269 : vector<16xf32>
          %add3A_271 = arith.addf %scan3A_262, %mul3A_270 : vector<16xf32>
          %mul3A_272 = arith.mulf %gather3A, %gather3A : vector<16xf32>
          %add3A_273 = arith.addf %scan3A_263, %mul3A_272 : vector<16xf32>
          %mul3A_274 = arith.mulf %gather3A_269, %gather3A_269 : vector<16xf32>
          %add3A_275 = arith.addf %scan3A_264, %mul3A_274 : vector<16xf32>
          %scan3A_276 = arith.constant 1 : i32
          %scan3A_277 = arith.addi %scan3A_261, %scan3A_276 : i32
          %add3A_278 = vector.broadcast %scan3A_277 : i32 to vector<16xi32>
          %add3A_279 = arith.addi %iota3A, %add3A_278 : vector<16xi32>
          %and3A_280 = arith.constant 127 : i32
          %and3A_281 = vector.broadcast %and3A_280 : i32 to vector<16xi32>
          %and3A_282 = arith.andi %add3A_279, %and3A_281 : vector<16xi32>
          %gather3A_283 = tpu.vector_load_idx %arg13[%add3A_170, %and3A_282] : memref<80x128xf32, #tpu.memory_space<vmem>>[vector<16xi32>, vector<16xi32>], vector<16xf32>,
          %gather3A_284 = tpu.vector_load_idx %arg15[%add3A_170, %and3A_282] : memref<80x128xf32, #tpu.memory_space<vmem>>[vector<16xi32>, vector<16xi32>], vector<16xf32>,
          %mul3A_285 = arith.mulf %gather3A_283, %gather3A_284 : vector<16xf32>
          %add3A_286 = arith.addf %add3A_271, %mul3A_285 : vector<16xf32>
          %mul3A_287 = arith.mulf %gather3A_283, %gather3A_283 : vector<16xf32>
          %add3A_288 = arith.addf %add3A_273, %mul3A_287 : vector<16xf32>
          %mul3A_289 = arith.mulf %gather3A_284, %gather3A_284 : vector<16xf32>
          %add3A_290 = arith.addf %add3A_275, %mul3A_289 : vector<16xf32>
          %scan3A_291 = arith.constant 2 : i32
          %scan3A_292 = arith.addi %scan3A_261, %scan3A_291 : i32
          %add3A_293 = vector.broadcast %scan3A_292 : i32 to vector<16xi32>
          %add3A_294 = arith.addi %iota3A, %add3A_293 : vector<16xi32>
          %and3A_295 = arith.constant 127 : i32
          %and3A_296 = vector.broadcast %and3A_295 : i32 to vector<16xi32>
          %and3A_297 = arith.andi %add3A_294, %and3A_296 : vector<16xi32>
          %gather3A_298 = tpu.vector_load_idx %arg13[%add3A_170, %and3A_297] : memref<80x128xf32, #tpu.memory_space<vmem>>[vector<16xi32>, vector<16xi32>], vector<16xf32>,
          %gather3A_299 = tpu.vector_load_idx %arg15[%add3A_170, %and3A_297] : memref<80x128xf32, #tpu.memory_space<vmem>>[vector<16xi32>, vector<16xi32>], vector<16xf32>,
          %mul3A_300 = arith.mulf %gather3A_298, %gather3A_299 : vector<16xf32>
          %add3A_301 = arith.addf %add3A_286, %mul3A_300 : vector<16xf32>
          %mul3A_302 = arith.mulf %gather3A_298, %gather3A_298 : vector<16xf32>
          %add3A_303 = arith.addf %add3A_288, %mul3A_302 : vector<16xf32>
          %mul3A_304 = arith.mulf %gather3A_299, %gather3A_299 : vector<16xf32>
          %add3A_305 = arith.addf %add3A_290, %mul3A_304 : vector<16xf32>
          %scan3A_306 = arith.constant 3 : i32
          %scan3A_307 = arith.addi %scan3A_261, %scan3A_306 : i32
          %add3A_308 = vector.broadcast %scan3A_307 : i32 to vector<16xi32>
          %add3A_309 = arith.addi %iota3A, %add3A_308 : vector<16xi32>
          %and3A_310 = arith.constant 127 : i32
          %and3A_311 = vector.broadcast %and3A_310 : i32 to vector<16xi32>
          %and3A_312 = arith.andi %add3A_309, %and3A_311 : vector<16xi32>
          %gather3A_313 = tpu.vector_load_idx %arg13[%add3A_170, %and3A_312] : memref<80x128xf32, #tpu.memory_space<vmem>>[vector<16xi32>, vector<16xi32>], vector<16xf32>,
          %gather3A_314 = tpu.vector_load_idx %arg15[%add3A_170, %and3A_312] : memref<80x128xf32, #tpu.memory_space<vmem>>[vector<16xi32>, vector<16xi32>], vector<16xf32>,
          %mul3A_315 = arith.mulf %gather3A_313, %gather3A_314 : vector<16xf32>
          %add3A_316 = arith.addf %add3A_301, %mul3A_315 : vector<16xf32>
          %mul3A_317 = arith.mulf %gather3A_313, %gather3A_313 : vector<16xf32>
          %add3A_318 = arith.addf %add3A_303, %mul3A_317 : vector<16xf32>
          %mul3A_319 = arith.mulf %gather3A_314, %gather3A_314 : vector<16xf32>
          %add3A_320 = arith.addf %add3A_305, %mul3A_319 : vector<16xf32>
          scf.yield %add3A_316, %add3A_318, %add3A_320 : vector<16xf32>, vector<16xf32>, vector<16xf32>
        }
        %scan3A_177 = arith.constant 128 : i32
        %max3A = arith.constant 1.000000e-35 : f32
        %max3A_178 = vector.broadcast %max3A : f32 to vector<16xf32>
        %max3A_179 = arith.maximumf %scan3A_176#1, %max3A_178 : vector<16xf32>
        %max3A_180 = arith.constant 1.000000e-35 : f32
        %max3A_181 = vector.broadcast %max3A_180 : f32 to vector<16xf32>
        %max3A_182 = arith.maximumf %scan3A_176#2, %max3A_181 : vector<16xf32>
        %bitcast3A = vector.bitcast %max3A_179 : vector<16xf32> to vector<16xi32>
        %shift_right_arithmetic3A = arith.constant 1 : i32
        %shift_right_arithmetic3A_183 = vector.broadcast %shift_right_arithmetic3A : i32 to vector<16xi32>
        %shift_right_arithmetic3A_184 = arith.shrsi %bitcast3A, %shift_right_arithmetic3A_183 : vector<16xi32>
        %sub3A = arith.constant 1597463007 : i32
        %sub3A_185 = vector.broadcast %sub3A : i32 to vector<16xi32>
        %sub3A_186 = arith.subi %sub3A_185, %shift_right_arithmetic3A_184 : vector<16xi32>
        %bitcast3A_187 = vector.bitcast %sub3A_186 : vector<16xi32> to vector<16xf32>
        %mul3A_188 = arith.constant 5.000000e-01 : f32
        %mul3A_189 = vector.broadcast %mul3A_188 : f32 to vector<16xf32>
        %mul3A_190 = arith.mulf %mul3A_189, %max3A_179 : vector<16xf32>
        %mul3A_191 = arith.mulf %mul3A_190, %bitcast3A_187 : vector<16xf32>
        %mul3A_192 = arith.mulf %mul3A_191, %bitcast3A_187 : vector<16xf32>
        %sub3A_193 = arith.constant 1.500000e+00 : f32
        %sub3A_194 = vector.broadcast %sub3A_193 : f32 to vector<16xf32>
        %sub3A_195 = arith.subf %sub3A_194, %mul3A_192 : vector<16xf32>
        %mul3A_196 = arith.mulf %bitcast3A_187, %sub3A_195 : vector<16xf32>
        %mul3A_197 = arith.constant 5.000000e-01 : f32
        %mul3A_198 = vector.broadcast %mul3A_197 : f32 to vector<16xf32>
        %mul3A_199 = arith.mulf %mul3A_198, %max3A_179 : vector<16xf32>
        %mul3A_200 = arith.mulf %mul3A_199, %mul3A_196 : vector<16xf32>
        %mul3A_201 = arith.mulf %mul3A_200, %mul3A_196 : vector<16xf32>
        %sub3A_202 = arith.constant 1.500000e+00 : f32
        %sub3A_203 = vector.broadcast %sub3A_202 : f32 to vector<16xf32>
        %sub3A_204 = arith.subf %sub3A_203, %mul3A_201 : vector<16xf32>
        %mul3A_205 = arith.mulf %mul3A_196, %sub3A_204 : vector<16xf32>
        %mul3A_206 = arith.constant 5.000000e-01 : f32
        %mul3A_207 = vector.broadcast %mul3A_206 : f32 to vector<16xf32>
        %mul3A_208 = arith.mulf %mul3A_207, %max3A_179 : vector<16xf32>
        %mul3A_209 = arith.mulf %mul3A_208, %mul3A_205 : vector<16xf32>
        %mul3A_210 = arith.mulf %mul3A_209, %mul3A_205 : vector<16xf32>
        %sub3A_211 = arith.constant 1.500000e+00 : f32
        %sub3A_212 = vector.broadcast %sub3A_211 : f32 to vector<16xf32>
        %sub3A_213 = arith.subf %sub3A_212, %mul3A_210 : vector<16xf32>
        %mul3A_214 = arith.mulf %mul3A_205, %sub3A_213 : vector<16xf32>
        %mul3A_215 = arith.mulf %max3A_179, %mul3A_214 : vector<16xf32>
        %bitcast3A_216 = vector.bitcast %max3A_182 : vector<16xf32> to vector<16xi32>
        %shift_right_arithmetic3A_217 = arith.constant 1 : i32
        %shift_right_arithmetic3A_218 = vector.broadcast %shift_right_arithmetic3A_217 : i32 to vector<16xi32>
        %shift_right_arithmetic3A_219 = arith.shrsi %bitcast3A_216, %shift_right_arithmetic3A_218 : vector<16xi32>
        %sub3A_220 = arith.constant 1597463007 : i32
        %sub3A_221 = vector.broadcast %sub3A_220 : i32 to vector<16xi32>
        %sub3A_222 = arith.subi %sub3A_221, %shift_right_arithmetic3A_219 : vector<16xi32>
        %bitcast3A_223 = vector.bitcast %sub3A_222 : vector<16xi32> to vector<16xf32>
        %mul3A_224 = arith.constant 5.000000e-01 : f32
        %mul3A_225 = vector.broadcast %mul3A_224 : f32 to vector<16xf32>
        %mul3A_226 = arith.mulf %mul3A_225, %max3A_182 : vector<16xf32>
        %mul3A_227 = arith.mulf %mul3A_226, %bitcast3A_223 : vector<16xf32>
        %mul3A_228 = arith.mulf %mul3A_227, %bitcast3A_223 : vector<16xf32>
        %sub3A_229 = arith.constant 1.500000e+00 : f32
        %sub3A_230 = vector.broadcast %sub3A_229 : f32 to vector<16xf32>
        %sub3A_231 = arith.subf %sub3A_230, %mul3A_228 : vector<16xf32>
        %mul3A_232 = arith.mulf %bitcast3A_223, %sub3A_231 : vector<16xf32>
        %mul3A_233 = arith.constant 5.000000e-01 : f32
        %mul3A_234 = vector.broadcast %mul3A_233 : f32 to vector<16xf32>
        %mul3A_235 = arith.mulf %mul3A_234, %max3A_182 : vector<16xf32>
        %mul3A_236 = arith.mulf %mul3A_235, %mul3A_232 : vector<16xf32>
        %mul3A_237 = arith.mulf %mul3A_236, %mul3A_232 : vector<16xf32>
        %sub3A_238 = arith.constant 1.500000e+00 : f32
        %sub3A_239 = vector.broadcast %sub3A_238 : f32 to vector<16xf32>
        %sub3A_240 = arith.subf %sub3A_239, %mul3A_237 : vector<16xf32>
        %mul3A_241 = arith.mulf %mul3A_232, %sub3A_240 : vector<16xf32>
        %mul3A_242 = arith.constant 5.000000e-01 : f32
        %mul3A_243 = vector.broadcast %mul3A_242 : f32 to vector<16xf32>
        %mul3A_244 = arith.mulf %mul3A_243, %max3A_182 : vector<16xf32>
        %mul3A_245 = arith.mulf %mul3A_244, %mul3A_241 : vector<16xf32>
        %mul3A_246 = arith.mulf %mul3A_245, %mul3A_241 : vector<16xf32>
        %sub3A_247 = arith.constant 1.500000e+00 : f32
        %sub3A_248 = vector.broadcast %sub3A_247 : f32 to vector<16xf32>
        %sub3A_249 = arith.subf %sub3A_248, %mul3A_246 : vector<16xf32>
        %mul3A_250 = arith.mulf %mul3A_241, %sub3A_249 : vector<16xf32>
        %mul3A_251 = arith.mulf %max3A_182, %mul3A_250 : vector<16xf32>
        %mul3A_252 = arith.mulf %mul3A_215, %mul3A_251 : vector<16xf32>
        %add3A_253 = arith.constant 9.99999993E-9 : f32
        %add3A_254 = vector.broadcast %add3A_253 : f32 to vector<16xf32>
        %add3A_255 = arith.addf %mul3A_252, %add3A_254 : vector<16xf32>
        %div3A = arith.divf %scan3A_176#0, %add3A_255 : vector<16xf32>
        %mul3A_256 = arith.constant 16 : i32
        %mul3A_257 = arith.muli %scan3A_165, %mul3A_256 : i32
        %add3A_258 = arith.addi %mul3A_156, %mul3A_257 : i32
        %swap3A = arith.index_cast %add3A_258 : i32 to index
        %swap3A_259 = tpu.vector_load %arg16[%swap3A] {strides = array<i32>} : memref<10000xf32, #tpu.memory_space<vmem>>, vector<16xf32>,
        tpu.vector_store %arg16[%swap3A], %div3A {strides = array<i32>} : memref<10000xf32, #tpu.memory_space<vmem>>, vector<16xf32>,
        %scan3A_260 = arith.constant 0 : i32
        scf.yield %scan3A_260 : i32
      }
      %scan3A_163 = arith.constant 5 : i32
      %scan3A_164 = arith.constant 0 : i32
      scf.yield %scan3A_164 : i32
    }
    %scan3A_19 = arith.constant 62 : i32
    %dma_wait3A = arith.constant 124 : i32
    %dma_wait3A_20 = arith.constant 0 : i32
    %dma_wait3A_21 = tpu.memref_slice %arg10[%dma_wait3A, %dma_wait3A_20] : memref<125x80xi32, #tpu.memory_space<vmem>> -> memref<1x80xi32, #tpu.memory_space<vmem>>
    %dma_wait3A_22 = tpu.memref_squeeze %dma_wait3A_21 : memref<1x80xi32, #tpu.memory_space<vmem>> -> memref<80xi32, #tpu.memory_space<vmem>>
    %dma_wait3A_23 = arith.constant 0 : i32
    %dma_wait3A_24 = arith.constant 0 : i32
    %dma_wait3A_25 = tpu.memref_slice %arg6[%dma_wait3A_23, %dma_wait3A_24] : memref<50000x128xf32, #tpu.memory_space<hbm>> -> memref<50000x128xf32, #tpu.memory_space<hbm>>
    tpu.wait_indirect_dma semaphore(%arg17 : memref<!tpu.dma_semaphore, #tpu.memory_space<semaphore_mem>>) src(%dma_wait3A_25 : memref<50000x128xf32, #tpu.memory_space<hbm>>) dst(%arg12 : memref<80x128xf32, #tpu.memory_space<vmem>>)
    %dma_wait3A_26 = arith.constant 124 : i32
    %dma_wait3A_27 = arith.constant 0 : i32
    %dma_wait3A_28 = tpu.memref_slice %arg11[%dma_wait3A_26, %dma_wait3A_27] : memref<125x80xi32, #tpu.memory_space<vmem>> -> memref<1x80xi32, #tpu.memory_space<vmem>>
    %dma_wait3A_29 = tpu.memref_squeeze %dma_wait3A_28 : memref<1x80xi32, #tpu.memory_space<vmem>> -> memref<80xi32, #tpu.memory_space<vmem>>
    %dma_wait3A_30 = arith.constant 0 : i32
    %dma_wait3A_31 = arith.constant 0 : i32
    %dma_wait3A_32 = tpu.memref_slice %arg7[%dma_wait3A_30, %dma_wait3A_31] : memref<50000x128xf32, #tpu.memory_space<hbm>> -> memref<50000x128xf32, #tpu.memory_space<hbm>>
    tpu.wait_indirect_dma semaphore(%arg17 : memref<!tpu.dma_semaphore, #tpu.memory_space<semaphore_mem>>) src(%dma_wait3A_32 : memref<50000x128xf32, #tpu.memory_space<hbm>>) dst(%arg14 : memref<80x128xf32, #tpu.memory_space<vmem>>)
    %scan3A_33 = arith.constant 0 : i32
    %scan3A_34 = arith.constant 0 : i32
    %scan3A_35 = arith.constant 5 : i32
    %scan3A_36 = arith.addi %scan3A_34, %scan3A_35 : i32
    %scan3A_37 = arith.constant 1 : i32
    %scan3A_38 = scf.for %scan3A_86 = %scan3A_34 to %scan3A_36 step %scan3A_37 iter_args(%scan3A_87 = %scan3A_33) -> (i32)  : i32 {
      %iota3A = tpu.iota {dimensions = array<i32: 0>} : vector<16xi32>
      %mul3A_88 = arith.constant 16 : i32
      %mul3A_89 = arith.muli %scan3A_86, %mul3A_88 : i32
      %add3A_90 = vector.broadcast %mul3A_89 : i32 to vector<16xi32>
      %add3A_91 = arith.addi %iota3A, %add3A_90 : vector<16xi32>
      %broadcast_in_dim3A = arith.constant 0.000000e+00 : f32
      %broadcast_in_dim3A_92 = vector.broadcast %broadcast_in_dim3A : f32 to vector<16xf32>
      %scan3A_93 = arith.constant 0 : i32
      %scan3A_94 = arith.constant 128 : i32
      %scan3A_95 = arith.addi %scan3A_93, %scan3A_94 : i32
      %scan3A_96 = arith.constant 4 : i32
      %scan3A_97:3 = scf.for %scan3A_183 = %scan3A_93 to %scan3A_95 step %scan3A_96 iter_args(%scan3A_184 = %broadcast_in_dim3A_92, %scan3A_185 = %broadcast_in_dim3A_92, %scan3A_186 = %broadcast_in_dim3A_92) -> (vector<16xf32>, vector<16xf32>, vector<16xf32>)  : i32 {
        %add3A_187 = vector.broadcast %scan3A_183 : i32 to vector<16xi32>
        %add3A_188 = arith.addi %iota3A, %add3A_187 : vector<16xi32>
        %and3A = arith.constant 127 : i32
        %and3A_189 = vector.broadcast %and3A : i32 to vector<16xi32>
        %and3A_190 = arith.andi %add3A_188, %and3A_189 : vector<16xi32>
        %gather3A = tpu.vector_load_idx %arg12[%add3A_91, %and3A_190] : memref<80x128xf32, #tpu.memory_space<vmem>>[vector<16xi32>, vector<16xi32>], vector<16xf32>,
        %gather3A_191 = tpu.vector_load_idx %arg14[%add3A_91, %and3A_190] : memref<80x128xf32, #tpu.memory_space<vmem>>[vector<16xi32>, vector<16xi32>], vector<16xf32>,
        %mul3A_192 = arith.mulf %gather3A, %gather3A_191 : vector<16xf32>
        %add3A_193 = arith.addf %scan3A_184, %mul3A_192 : vector<16xf32>
        %mul3A_194 = arith.mulf %gather3A, %gather3A : vector<16xf32>
        %add3A_195 = arith.addf %scan3A_185, %mul3A_194 : vector<16xf32>
        %mul3A_196 = arith.mulf %gather3A_191, %gather3A_191 : vector<16xf32>
        %add3A_197 = arith.addf %scan3A_186, %mul3A_196 : vector<16xf32>
        %scan3A_198 = arith.constant 1 : i32
        %scan3A_199 = arith.addi %scan3A_183, %scan3A_198 : i32
        %add3A_200 = vector.broadcast %scan3A_199 : i32 to vector<16xi32>
        %add3A_201 = arith.addi %iota3A, %add3A_200 : vector<16xi32>
        %and3A_202 = arith.constant 127 : i32
        %and3A_203 = vector.broadcast %and3A_202 : i32 to vector<16xi32>
        %and3A_204 = arith.andi %add3A_201, %and3A_203 : vector<16xi32>
        %gather3A_205 = tpu.vector_load_idx %arg12[%add3A_91, %and3A_204] : memref<80x128xf32, #tpu.memory_space<vmem>>[vector<16xi32>, vector<16xi32>], vector<16xf32>,
        %gather3A_206 = tpu.vector_load_idx %arg14[%add3A_91, %and3A_204] : memref<80x128xf32, #tpu.memory_space<vmem>>[vector<16xi32>, vector<16xi32>], vector<16xf32>,
        %mul3A_207 = arith.mulf %gather3A_205, %gather3A_206 : vector<16xf32>
        %add3A_208 = arith.addf %add3A_193, %mul3A_207 : vector<16xf32>
        %mul3A_209 = arith.mulf %gather3A_205, %gather3A_205 : vector<16xf32>
        %add3A_210 = arith.addf %add3A_195, %mul3A_209 : vector<16xf32>
        %mul3A_211 = arith.mulf %gather3A_206, %gather3A_206 : vector<16xf32>
        %add3A_212 = arith.addf %add3A_197, %mul3A_211 : vector<16xf32>
        %scan3A_213 = arith.constant 2 : i32
        %scan3A_214 = arith.addi %scan3A_183, %scan3A_213 : i32
        %add3A_215 = vector.broadcast %scan3A_214 : i32 to vector<16xi32>
        %add3A_216 = arith.addi %iota3A, %add3A_215 : vector<16xi32>
        %and3A_217 = arith.constant 127 : i32
        %and3A_218 = vector.broadcast %and3A_217 : i32 to vector<16xi32>
        %and3A_219 = arith.andi %add3A_216, %and3A_218 : vector<16xi32>
        %gather3A_220 = tpu.vector_load_idx %arg12[%add3A_91, %and3A_219] : memref<80x128xf32, #tpu.memory_space<vmem>>[vector<16xi32>, vector<16xi32>], vector<16xf32>,
        %gather3A_221 = tpu.vector_load_idx %arg14[%add3A_91, %and3A_219] : memref<80x128xf32, #tpu.memory_space<vmem>>[vector<16xi32>, vector<16xi32>], vector<16xf32>,
        %mul3A_222 = arith.mulf %gather3A_220, %gather3A_221 : vector<16xf32>
        %add3A_223 = arith.addf %add3A_208, %mul3A_222 : vector<16xf32>
        %mul3A_224 = arith.mulf %gather3A_220, %gather3A_220 : vector<16xf32>
        %add3A_225 = arith.addf %add3A_210, %mul3A_224 : vector<16xf32>
        %mul3A_226 = arith.mulf %gather3A_221, %gather3A_221 : vector<16xf32>
        %add3A_227 = arith.addf %add3A_212, %mul3A_226 : vector<16xf32>
        %scan3A_228 = arith.constant 3 : i32
        %scan3A_229 = arith.addi %scan3A_183, %scan3A_228 : i32
        %add3A_230 = vector.broadcast %scan3A_229 : i32 to vector<16xi32>
        %add3A_231 = arith.addi %iota3A, %add3A_230 : vector<16xi32>
        %and3A_232 = arith.constant 127 : i32
        %and3A_233 = vector.broadcast %and3A_232 : i32 to vector<16xi32>
        %and3A_234 = arith.andi %add3A_231, %and3A_233 : vector<16xi32>
        %gather3A_235 = tpu.vector_load_idx %arg12[%add3A_91, %and3A_234] : memref<80x128xf32, #tpu.memory_space<vmem>>[vector<16xi32>, vector<16xi32>], vector<16xf32>,
        %gather3A_236 = tpu.vector_load_idx %arg14[%add3A_91, %and3A_234] : memref<80x128xf32, #tpu.memory_space<vmem>>[vector<16xi32>, vector<16xi32>], vector<16xf32>,
        %mul3A_237 = arith.mulf %gather3A_235, %gather3A_236 : vector<16xf32>
        %add3A_238 = arith.addf %add3A_223, %mul3A_237 : vector<16xf32>
        %mul3A_239 = arith.mulf %gather3A_235, %gather3A_235 : vector<16xf32>
        %add3A_240 = arith.addf %add3A_225, %mul3A_239 : vector<16xf32>
        %mul3A_241 = arith.mulf %gather3A_236, %gather3A_236 : vector<16xf32>
        %add3A_242 = arith.addf %add3A_227, %mul3A_241 : vector<16xf32>
        scf.yield %add3A_238, %add3A_240, %add3A_242 : vector<16xf32>, vector<16xf32>, vector<16xf32>
      }
      %scan3A_98 = arith.constant 128 : i32
      %max3A = arith.constant 1.000000e-35 : f32
      %max3A_99 = vector.broadcast %max3A : f32 to vector<16xf32>
      %max3A_100 = arith.maximumf %scan3A_97#1, %max3A_99 : vector<16xf32>
      %max3A_101 = arith.constant 1.000000e-35 : f32
      %max3A_102 = vector.broadcast %max3A_101 : f32 to vector<16xf32>
      %max3A_103 = arith.maximumf %scan3A_97#2, %max3A_102 : vector<16xf32>
      %bitcast3A = vector.bitcast %max3A_100 : vector<16xf32> to vector<16xi32>
      %shift_right_arithmetic3A = arith.constant 1 : i32
      %shift_right_arithmetic3A_104 = vector.broadcast %shift_right_arithmetic3A : i32 to vector<16xi32>
      %shift_right_arithmetic3A_105 = arith.shrsi %bitcast3A, %shift_right_arithmetic3A_104 : vector<16xi32>
      %sub3A = arith.constant 1597463007 : i32
      %sub3A_106 = vector.broadcast %sub3A : i32 to vector<16xi32>
      %sub3A_107 = arith.subi %sub3A_106, %shift_right_arithmetic3A_105 : vector<16xi32>
      %bitcast3A_108 = vector.bitcast %sub3A_107 : vector<16xi32> to vector<16xf32>
      %mul3A_109 = arith.constant 5.000000e-01 : f32
      %mul3A_110 = vector.broadcast %mul3A_109 : f32 to vector<16xf32>
      %mul3A_111 = arith.mulf %mul3A_110, %max3A_100 : vector<16xf32>
      %mul3A_112 = arith.mulf %mul3A_111, %bitcast3A_108 : vector<16xf32>
      %mul3A_113 = arith.mulf %mul3A_112, %bitcast3A_108 : vector<16xf32>
      %sub3A_114 = arith.constant 1.500000e+00 : f32
      %sub3A_115 = vector.broadcast %sub3A_114 : f32 to vector<16xf32>
      %sub3A_116 = arith.subf %sub3A_115, %mul3A_113 : vector<16xf32>
      %mul3A_117 = arith.mulf %bitcast3A_108, %sub3A_116 : vector<16xf32>
      %mul3A_118 = arith.constant 5.000000e-01 : f32
      %mul3A_119 = vector.broadcast %mul3A_118 : f32 to vector<16xf32>
      %mul3A_120 = arith.mulf %mul3A_119, %max3A_100 : vector<16xf32>
      %mul3A_121 = arith.mulf %mul3A_120, %mul3A_117 : vector<16xf32>
      %mul3A_122 = arith.mulf %mul3A_121, %mul3A_117 : vector<16xf32>
      %sub3A_123 = arith.constant 1.500000e+00 : f32
      %sub3A_124 = vector.broadcast %sub3A_123 : f32 to vector<16xf32>
      %sub3A_125 = arith.subf %sub3A_124, %mul3A_122 : vector<16xf32>
      %mul3A_126 = arith.mulf %mul3A_117, %sub3A_125 : vector<16xf32>
      %mul3A_127 = arith.constant 5.000000e-01 : f32
      %mul3A_128 = vector.broadcast %mul3A_127 : f32 to vector<16xf32>
      %mul3A_129 = arith.mulf %mul3A_128, %max3A_100 : vector<16xf32>
      %mul3A_130 = arith.mulf %mul3A_129, %mul3A_126 : vector<16xf32>
      %mul3A_131 = arith.mulf %mul3A_130, %mul3A_126 : vector<16xf32>
      %sub3A_132 = arith.constant 1.500000e+00 : f32
      %sub3A_133 = vector.broadcast %sub3A_132 : f32 to vector<16xf32>
      %sub3A_134 = arith.subf %sub3A_133, %mul3A_131 : vector<16xf32>
      %mul3A_135 = arith.mulf %mul3A_126, %sub3A_134 : vector<16xf32>
      %mul3A_136 = arith.mulf %max3A_100, %mul3A_135 : vector<16xf32>
      %bitcast3A_137 = vector.bitcast %max3A_103 : vector<16xf32> to vector<16xi32>
      %shift_right_arithmetic3A_138 = arith.constant 1 : i32
      %shift_right_arithmetic3A_139 = vector.broadcast %shift_right_arithmetic3A_138 : i32 to vector<16xi32>
      %shift_right_arithmetic3A_140 = arith.shrsi %bitcast3A_137, %shift_right_arithmetic3A_139 : vector<16xi32>
      %sub3A_141 = arith.constant 1597463007 : i32
      %sub3A_142 = vector.broadcast %sub3A_141 : i32 to vector<16xi32>
      %sub3A_143 = arith.subi %sub3A_142, %shift_right_arithmetic3A_140 : vector<16xi32>
      %bitcast3A_144 = vector.bitcast %sub3A_143 : vector<16xi32> to vector<16xf32>
      %mul3A_145 = arith.constant 5.000000e-01 : f32
      %mul3A_146 = vector.broadcast %mul3A_145 : f32 to vector<16xf32>
      %mul3A_147 = arith.mulf %mul3A_146, %max3A_103 : vector<16xf32>
      %mul3A_148 = arith.mulf %mul3A_147, %bitcast3A_144 : vector<16xf32>
      %mul3A_149 = arith.mulf %mul3A_148, %bitcast3A_144 : vector<16xf32>
      %sub3A_150 = arith.constant 1.500000e+00 : f32
      %sub3A_151 = vector.broadcast %sub3A_150 : f32 to vector<16xf32>
      %sub3A_152 = arith.subf %sub3A_151, %mul3A_149 : vector<16xf32>
      %mul3A_153 = arith.mulf %bitcast3A_144, %sub3A_152 : vector<16xf32>
      %mul3A_154 = arith.constant 5.000000e-01 : f32
      %mul3A_155 = vector.broadcast %mul3A_154 : f32 to vector<16xf32>
      %mul3A_156 = arith.mulf %mul3A_155, %max3A_103 : vector<16xf32>
      %mul3A_157 = arith.mulf %mul3A_156, %mul3A_153 : vector<16xf32>
      %mul3A_158 = arith.mulf %mul3A_157, %mul3A_153 : vector<16xf32>
      %sub3A_159 = arith.constant 1.500000e+00 : f32
      %sub3A_160 = vector.broadcast %sub3A_159 : f32 to vector<16xf32>
      %sub3A_161 = arith.subf %sub3A_160, %mul3A_158 : vector<16xf32>
      %mul3A_162 = arith.mulf %mul3A_153, %sub3A_161 : vector<16xf32>
      %mul3A_163 = arith.constant 5.000000e-01 : f32
      %mul3A_164 = vector.broadcast %mul3A_163 : f32 to vector<16xf32>
      %mul3A_165 = arith.mulf %mul3A_164, %max3A_103 : vector<16xf32>
      %mul3A_166 = arith.mulf %mul3A_165, %mul3A_162 : vector<16xf32>
      %mul3A_167 = arith.mulf %mul3A_166, %mul3A_162 : vector<16xf32>
      %sub3A_168 = arith.constant 1.500000e+00 : f32
      %sub3A_169 = vector.broadcast %sub3A_168 : f32 to vector<16xf32>
      %sub3A_170 = arith.subf %sub3A_169, %mul3A_167 : vector<16xf32>
      %mul3A_171 = arith.mulf %mul3A_162, %sub3A_170 : vector<16xf32>
      %mul3A_172 = arith.mulf %max3A_103, %mul3A_171 : vector<16xf32>
      %mul3A_173 = arith.mulf %mul3A_136, %mul3A_172 : vector<16xf32>
      %add3A_174 = arith.constant 9.99999993E-9 : f32
      %add3A_175 = vector.broadcast %add3A_174 : f32 to vector<16xf32>
      %add3A_176 = arith.addf %mul3A_173, %add3A_175 : vector<16xf32>
      %div3A = arith.divf %scan3A_97#0, %add3A_176 : vector<16xf32>
      %mul3A_177 = arith.constant 16 : i32
      %mul3A_178 = arith.muli %scan3A_86, %mul3A_177 : i32
      %add3A_179 = arith.constant 9920 : i32
      %add3A_180 = arith.addi %add3A_179, %mul3A_178 : i32
      %swap3A = arith.index_cast %add3A_180 : i32 to index
      %swap3A_181 = tpu.vector_load %arg16[%swap3A] {strides = array<i32>} : memref<10000xf32, #tpu.memory_space<vmem>>, vector<16xf32>,
      tpu.vector_store %arg16[%swap3A], %div3A {strides = array<i32>} : memref<10000xf32, #tpu.memory_space<vmem>>, vector<16xf32>,
      %scan3A_182 = arith.constant 0 : i32
      scf.yield %scan3A_182 : i32
    }
    %scan3A_39 = arith.constant 5 : i32
    %mul3A_40 = arith.constant 10000 : i32
    %mul3A_41 = arith.muli %add3A, %mul3A_40 : i32
    "tpu.region"() ({
      %run_scoped3A = tpu.sem_alloc : memref<!tpu.dma_semaphore, #tpu.memory_space<semaphore_mem>>
      %dma_start3A_86 = tpu.memref_slice %arg8[%mul3A_41] : memref<320000xf32, #tpu.memory_space<hbm>> -> memref<10000xf32, #tpu.memory_space<hbm>>
      %dma_start3A_87 = tpu.memref_slice %arg8[%mul3A_41] : memref<320000xf32, #tpu.memory_space<hbm>> -> memref<10000xf32, #tpu.memory_space<hbm>>
      tpu.enqueue_dma source(%arg16 : memref<10000xf32, #tpu.memory_space<vmem>>) target(%dma_start3A_87 : memref<10000xf32, #tpu.memory_space<hbm>>) target_semaphore(%run_scoped3A : memref<!tpu.dma_semaphore, #tpu.memory_space<semaphore_mem>>)
      %dma_wait3A_88 = tpu.memref_slice %arg8[%mul3A_41] : memref<320000xf32, #tpu.memory_space<hbm>> -> memref<10000xf32, #tpu.memory_space<hbm>>
      %dma_wait3A_89 = tpu.memref_slice %arg8[%mul3A_41] : memref<320000xf32, #tpu.memory_space<hbm>> -> memref<10000xf32, #tpu.memory_space<hbm>>
      tpu.wait_dma2 semaphore(%run_scoped3A : memref<!tpu.dma_semaphore, #tpu.memory_space<semaphore_mem>>) src(%arg16 : memref<10000xf32, #tpu.memory_space<vmem>>) dst(%dma_wait3A_89 : memref<10000xf32, #tpu.memory_space<hbm>>)
      tpu.yield
    }) : () -> ()
    "tpu.region"() ({
      %run_scoped3A = tpu.sem_alloc : memref<!tpu.dma_semaphore, #tpu.memory_space<semaphore_mem>>
      %dma_start3A_86 = arith.constant 0 : i32
      %dma_start3A_87 = arith.constant 0 : i32
      %dma_start3A_88 = tpu.memref_slice %arg4[%add3A, %dma_start3A_86, %dma_start3A_87] : memref<32x125x80xi32, #tpu.memory_space<hbm>> -> memref<1x125x80xi32, #tpu.memory_space<hbm>>
      %dma_start3A_89 = tpu.memref_squeeze %dma_start3A_88 : memref<1x125x80xi32, #tpu.memory_space<hbm>> -> memref<125x80xi32, #tpu.memory_space<hbm>>
      %dma_start3A_90 = arith.constant 0 : i32
      %dma_start3A_91 = arith.constant 0 : i32
      %dma_start3A_92 = tpu.memref_slice %arg4[%add3A, %dma_start3A_90, %dma_start3A_91] : memref<32x125x80xi32, #tpu.memory_space<hbm>> -> memref<1x125x80xi32, #tpu.memory_space<hbm>>
      %dma_start3A_93 = tpu.memref_squeeze %dma_start3A_92 : memref<1x125x80xi32, #tpu.memory_space<hbm>> -> memref<125x80xi32, #tpu.memory_space<hbm>>
      tpu.enqueue_dma source(%dma_start3A_93 : memref<125x80xi32, #tpu.memory_space<hbm>>) target(%arg10 : memref<125x80xi32, #tpu.memory_space<vmem>>) target_semaphore(%run_scoped3A : memref<!tpu.dma_semaphore, #tpu.memory_space<semaphore_mem>>)
      %dma_wait3A_94 = arith.constant 0 : i32
      %dma_wait3A_95 = arith.constant 0 : i32
      %dma_wait3A_96 = tpu.memref_slice %arg4[%add3A, %dma_wait3A_94, %dma_wait3A_95] : memref<32x125x80xi32, #tpu.memory_space<hbm>> -> memref<1x125x80xi32, #tpu.memory_space<hbm>>
      %dma_wait3A_97 = tpu.memref_squeeze %dma_wait3A_96 : memref<1x125x80xi32, #tpu.memory_space<hbm>> -> memref<125x80xi32, #tpu.memory_space<hbm>>
      %dma_wait3A_98 = arith.constant 0 : i32
      %dma_wait3A_99 = arith.constant 0 : i32
      %dma_wait3A_100 = tpu.memref_slice %arg4[%add3A, %dma_wait3A_98, %dma_wait3A_99] : memref<32x125x80xi32, #tpu.memory_space<hbm>> -> memref<1x125x80xi32, #tpu.memory_space<hbm>>
      %dma_wait3A_101 = tpu.memref_squeeze %dma_wait3A_100 : memref<1x125x80xi32, #tpu.memory_space<hbm>> -> memref<125x80xi32, #tpu.memory_space<hbm>>
      tpu.wait_dma2 semaphore(%run_scoped3A : memref<!tpu.dma_semaphore, #tpu.memory_space<semaphore_mem>>) src(%dma_wait3A_101 : memref<125x80xi32, #tpu.memory_space<hbm>>) dst(%arg10 : memref<125x80xi32, #tpu.memory_space<vmem>>)
      tpu.yield
    }) : () -> ()
    "tpu.region"() ({
      %run_scoped3A = tpu.sem_alloc : memref<!tpu.dma_semaphore, #tpu.memory_space<semaphore_mem>>
      %dma_start3A_86 = arith.constant 0 : i32
      %dma_start3A_87 = arith.constant 0 : i32
      %dma_start3A_88 = tpu.memref_slice %arg5[%add3A, %dma_start3A_86, %dma_start3A_87] : memref<32x125x80xi32, #tpu.memory_space<hbm>> -> memref<1x125x80xi32, #tpu.memory_space<hbm>>
      %dma_start3A_89 = tpu.memref_squeeze %dma_start3A_88 : memref<1x125x80xi32, #tpu.memory_space<hbm>> -> memref<125x80xi32, #tpu.memory_space<hbm>>
      %dma_start3A_90 = arith.constant 0 : i32
      %dma_start3A_91 = arith.constant 0 : i32
      %dma_start3A_92 = tpu.memref_slice %arg5[%add3A, %dma_start3A_90, %dma_start3A_91] : memref<32x125x80xi32, #tpu.memory_space<hbm>> -> memref<1x125x80xi32, #tpu.memory_space<hbm>>
      %dma_start3A_93 = tpu.memref_squeeze %dma_start3A_92 : memref<1x125x80xi32, #tpu.memory_space<hbm>> -> memref<125x80xi32, #tpu.memory_space<hbm>>
      tpu.enqueue_dma source(%dma_start3A_93 : memref<125x80xi32, #tpu.memory_space<hbm>>) target(%arg11 : memref<125x80xi32, #tpu.memory_space<vmem>>) target_semaphore(%run_scoped3A : memref<!tpu.dma_semaphore, #tpu.memory_space<semaphore_mem>>)
      %dma_wait3A_94 = arith.constant 0 : i32
      %dma_wait3A_95 = arith.constant 0 : i32
      %dma_wait3A_96 = tpu.memref_slice %arg5[%add3A, %dma_wait3A_94, %dma_wait3A_95] : memref<32x125x80xi32, #tpu.memory_space<hbm>> -> memref<1x125x80xi32, #tpu.memory_space<hbm>>
      %dma_wait3A_97 = tpu.memref_squeeze %dma_wait3A_96 : memref<1x125x80xi32, #tpu.memory_space<hbm>> -> memref<125x80xi32, #tpu.memory_space<hbm>>
      %dma_wait3A_98 = arith.constant 0 : i32
      %dma_wait3A_99 = arith.constant 0 : i32
      %dma_wait3A_100 = tpu.memref_slice %arg5[%add3A, %dma_wait3A_98, %dma_wait3A_99] : memref<32x125x80xi32, #tpu.memory_space<hbm>> -> memref<1x125x80xi32, #tpu.memory_space<hbm>>
      %dma_wait3A_101 = tpu.memref_squeeze %dma_wait3A_100 : memref<1x125x80xi32, #tpu.memory_space<hbm>> -> memref<125x80xi32, #tpu.memory_space<hbm>>
      tpu.wait_dma2 semaphore(%run_scoped3A : memref<!tpu.dma_semaphore, #tpu.memory_space<semaphore_mem>>) src(%dma_wait3A_101 : memref<125x80xi32, #tpu.memory_space<hbm>>) dst(%arg11 : memref<125x80xi32, #tpu.memory_space<vmem>>)
      tpu.yield
    }) : () -> ()
    %dma_start3A_42 = arith.constant 0 : i32
    %dma_start3A_43 = arith.constant 0 : i32
    %dma_start3A_44 = tpu.memref_slice %arg10[%dma_start3A_42, %dma_start3A_43] : memref<125x80xi32, #tpu.memory_space<vmem>> -> memref<1x80xi32, #tpu.memory_space<vmem>>
    %dma_start3A_45 = tpu.memref_squeeze %dma_start3A_44 : memref<1x80xi32, #tpu.memory_space<vmem>> -> memref<80xi32, #tpu.memory_space<vmem>>
    %dma_start3A_46 = arith.constant 0 : i32
    %dma_start3A_47 = arith.constant 0 : i32
    %dma_start3A_48 = tpu.memref_slice %arg6[%dma_start3A_46, %dma_start3A_47] : memref<50000x128xf32, #tpu.memory_space<hbm>> -> memref<50000x128xf32, #tpu.memory_space<hbm>>
    tpu.enqueue_indirect_dma source(%dma_start3A_48 : memref<50000x128xf32, #tpu.memory_space<hbm>>) target(%arg12 : memref<80x128xf32, #tpu.memory_space<vmem>>) offsets(%dma_start3A_45 : memref<80xi32, #tpu.memory_space<vmem>>) semaphore(%arg17 : memref<!tpu.dma_semaphore, #tpu.memory_space<semaphore_mem>>)
    %dma_start3A_49 = arith.constant 0 : i32
    %dma_start3A_50 = arith.constant 0 : i32
    %dma_start3A_51 = tpu.memref_slice %arg11[%dma_start3A_49, %dma_start3A_50] : memref<125x80xi32, #tpu.memory_space<vmem>> -> memref<1x80xi32, #tpu.memory_space<vmem>>
    %dma_start3A_52 = tpu.memref_squeeze %dma_start3A_51 : memref<1x80xi32, #tpu.memory_space<vmem>> -> memref<80xi32, #tpu.memory_space<vmem>>
    %dma_start3A_53 = arith.constant 0 : i32
    %dma_start3A_54 = arith.constant 0 : i32
    %dma_start3A_55 = tpu.memref_slice %arg7[%dma_start3A_53, %dma_start3A_54] : memref<50000x128xf32, #tpu.memory_space<hbm>> -> memref<50000x128xf32, #tpu.memory_space<hbm>>
    tpu.enqueue_indirect_dma source(%dma_start3A_55 : memref<50000x128xf32, #tpu.memory_space<hbm>>) target(%arg14 : memref<80x128xf32, #tpu.memory_space<vmem>>) offsets(%dma_start3A_52 : memref<80xi32, #tpu.memory_space<vmem>>) semaphore(%arg17 : memref<!tpu.dma_semaphore, #tpu.memory_space<semaphore_mem>>)
    %scan3A_56 = arith.constant 0 : i32
    %scan3A_57 = arith.constant 0 : i32
    %scan3A_58 = arith.constant 62 : i32
    %scan3A_59 = arith.addi %scan3A_57, %scan3A_58 : i32
    %scan3A_60 = arith.constant 1 : i32
    %scan3A_61 = scf.for %scan3A_86 = %scan3A_57 to %scan3A_59 step %scan3A_60 iter_args(%scan3A_87 = %scan3A_56) -> (i32)  : i32 {
      %mul3A_88 = arith.constant 2 : i32
      %mul3A_89 = arith.muli %mul3A_88, %scan3A_86 : i32
      %dma_wait3A_90 = arith.constant 0 : i32
      %dma_wait3A_91 = tpu.memref_slice %arg10[%mul3A_89, %dma_wait3A_90] : memref<125x80xi32, #tpu.memory_space<vmem>> -> memref<1x80xi32, #tpu.memory_space<vmem>>
      %dma_wait3A_92 = tpu.memref_squeeze %dma_wait3A_91 : memref<1x80xi32, #tpu.memory_space<vmem>> -> memref<80xi32, #tpu.memory_space<vmem>>
      %dma_wait3A_93 = arith.constant 0 : i32
      %dma_wait3A_94 = arith.constant 0 : i32
      %dma_wait3A_95 = tpu.memref_slice %arg6[%dma_wait3A_93, %dma_wait3A_94] : memref<50000x128xf32, #tpu.memory_space<hbm>> -> memref<50000x128xf32, #tpu.memory_space<hbm>>
      tpu.wait_indirect_dma semaphore(%arg17 : memref<!tpu.dma_semaphore, #tpu.memory_space<semaphore_mem>>) src(%dma_wait3A_95 : memref<50000x128xf32, #tpu.memory_space<hbm>>) dst(%arg12 : memref<80x128xf32, #tpu.memory_space<vmem>>)
      %dma_wait3A_96 = arith.constant 0 : i32
      %dma_wait3A_97 = tpu.memref_slice %arg11[%mul3A_89, %dma_wait3A_96] : memref<125x80xi32, #tpu.memory_space<vmem>> -> memref<1x80xi32, #tpu.memory_space<vmem>>
      %dma_wait3A_98 = tpu.memref_squeeze %dma_wait3A_97 : memref<1x80xi32, #tpu.memory_space<vmem>> -> memref<80xi32, #tpu.memory_space<vmem>>
      %dma_wait3A_99 = arith.constant 0 : i32
      %dma_wait3A_100 = arith.constant 0 : i32
      %dma_wait3A_101 = tpu.memref_slice %arg7[%dma_wait3A_99, %dma_wait3A_100] : memref<50000x128xf32, #tpu.memory_space<hbm>> -> memref<50000x128xf32, #tpu.memory_space<hbm>>
      tpu.wait_indirect_dma semaphore(%arg17 : memref<!tpu.dma_semaphore, #tpu.memory_space<semaphore_mem>>) src(%dma_wait3A_101 : memref<50000x128xf32, #tpu.memory_space<hbm>>) dst(%arg14 : memref<80x128xf32, #tpu.memory_space<vmem>>)
      %add3A_102 = arith.constant 1 : i32
      %add3A_103 = arith.addi %mul3A_89, %add3A_102 : i32
      %dma_start3A_104 = arith.constant 0 : i32
      %dma_start3A_105 = tpu.memref_slice %arg10[%add3A_103, %dma_start3A_104] : memref<125x80xi32, #tpu.memory_space<vmem>> -> memref<1x80xi32, #tpu.memory_space<vmem>>
      %dma_start3A_106 = tpu.memref_squeeze %dma_start3A_105 : memref<1x80xi32, #tpu.memory_space<vmem>> -> memref<80xi32, #tpu.memory_space<vmem>>
      %dma_start3A_107 = arith.constant 0 : i32
      %dma_start3A_108 = arith.constant 0 : i32
      %dma_start3A_109 = tpu.memref_slice %arg6[%dma_start3A_107, %dma_start3A_108] : memref<50000x128xf32, #tpu.memory_space<hbm>> -> memref<50000x128xf32, #tpu.memory_space<hbm>>
      tpu.enqueue_indirect_dma source(%dma_start3A_109 : memref<50000x128xf32, #tpu.memory_space<hbm>>) target(%arg13 : memref<80x128xf32, #tpu.memory_space<vmem>>) offsets(%dma_start3A_106 : memref<80xi32, #tpu.memory_space<vmem>>) semaphore(%arg18 : memref<!tpu.dma_semaphore, #tpu.memory_space<semaphore_mem>>)
      %dma_start3A_110 = arith.constant 0 : i32
      %dma_start3A_111 = tpu.memref_slice %arg11[%add3A_103, %dma_start3A_110] : memref<125x80xi32, #tpu.memory_space<vmem>> -> memref<1x80xi32, #tpu.memory_space<vmem>>
      %dma_start3A_112 = tpu.memref_squeeze %dma_start3A_111 : memref<1x80xi32, #tpu.memory_space<vmem>> -> memref<80xi32, #tpu.memory_space<vmem>>
      %dma_start3A_113 = arith.constant 0 : i32
      %dma_start3A_114 = arith.constant 0 : i32
      %dma_start3A_115 = tpu.memref_slice %arg7[%dma_start3A_113, %dma_start3A_114] : memref<50000x128xf32, #tpu.memory_space<hbm>> -> memref<50000x128xf32, #tpu.memory_space<hbm>>
      tpu.enqueue_indirect_dma source(%dma_start3A_115 : memref<50000x128xf32, #tpu.memory_space<hbm>>) target(%arg15 : memref<80x128xf32, #tpu.memory_space<vmem>>) offsets(%dma_start3A_112 : memref<80xi32, #tpu.memory_space<vmem>>) semaphore(%arg18 : memref<!tpu.dma_semaphore, #tpu.memory_space<semaphore_mem>>)
      %mul3A_116 = arith.constant 80 : i32
      %mul3A_117 = arith.muli %mul3A_89, %mul3A_116 : i32
      %scan3A_118 = arith.constant 0 : i32
      %scan3A_119 = arith.constant 0 : i32
      %scan3A_120 = arith.constant 5 : i32
      %scan3A_121 = arith.addi %scan3A_119, %scan3A_120 : i32
      %scan3A_122 = arith.constant 1 : i32
      %scan3A_123 = scf.for %scan3A_165 = %scan3A_119 to %scan3A_121 step %scan3A_122 iter_args(%scan3A_166 = %scan3A_118) -> (i32)  : i32 {
        %iota3A = tpu.iota {dimensions = array<i32: 0>} : vector<16xi32>
        %mul3A_167 = arith.constant 16 : i32
        %mul3A_168 = arith.muli %scan3A_165, %mul3A_167 : i32
        %add3A_169 = vector.broadcast %mul3A_168 : i32 to vector<16xi32>
        %add3A_170 = arith.addi %iota3A, %add3A_169 : vector<16xi32>
        %broadcast_in_dim3A = arith.constant 0.000000e+00 : f32
        %broadcast_in_dim3A_171 = vector.broadcast %broadcast_in_dim3A : f32 to vector<16xf32>
        %scan3A_172 = arith.constant 0 : i32
        %scan3A_173 = arith.constant 128 : i32
        %scan3A_174 = arith.addi %scan3A_172, %scan3A_173 : i32
        %scan3A_175 = arith.constant 4 : i32
        %scan3A_176:3 = scf.for %scan3A_261 = %scan3A_172 to %scan3A_174 step %scan3A_175 iter_args(%scan3A_262 = %broadcast_in_dim3A_171, %scan3A_263 = %broadcast_in_dim3A_171, %scan3A_264 = %broadcast_in_dim3A_171) -> (vector<16xf32>, vector<16xf32>, vector<16xf32>)  : i32 {
          %add3A_265 = vector.broadcast %scan3A_261 : i32 to vector<16xi32>
          %add3A_266 = arith.addi %iota3A, %add3A_265 : vector<16xi32>
          %and3A = arith.constant 127 : i32
          %and3A_267 = vector.broadcast %and3A : i32 to vector<16xi32>
          %and3A_268 = arith.andi %add3A_266, %and3A_267 : vector<16xi32>
          %gather3A = tpu.vector_load_idx %arg12[%add3A_170, %and3A_268] : memref<80x128xf32, #tpu.memory_space<vmem>>[vector<16xi32>, vector<16xi32>], vector<16xf32>,
          %gather3A_269 = tpu.vector_load_idx %arg14[%add3A_170, %and3A_268] : memref<80x128xf32, #tpu.memory_space<vmem>>[vector<16xi32>, vector<16xi32>], vector<16xf32>,
          %mul3A_270 = arith.mulf %gather3A, %gather3A_269 : vector<16xf32>
          %add3A_271 = arith.addf %scan3A_262, %mul3A_270 : vector<16xf32>
          %mul3A_272 = arith.mulf %gather3A, %gather3A : vector<16xf32>
          %add3A_273 = arith.addf %scan3A_263, %mul3A_272 : vector<16xf32>
          %mul3A_274 = arith.mulf %gather3A_269, %gather3A_269 : vector<16xf32>
          %add3A_275 = arith.addf %scan3A_264, %mul3A_274 : vector<16xf32>
          %scan3A_276 = arith.constant 1 : i32
          %scan3A_277 = arith.addi %scan3A_261, %scan3A_276 : i32
          %add3A_278 = vector.broadcast %scan3A_277 : i32 to vector<16xi32>
          %add3A_279 = arith.addi %iota3A, %add3A_278 : vector<16xi32>
          %and3A_280 = arith.constant 127 : i32
          %and3A_281 = vector.broadcast %and3A_280 : i32 to vector<16xi32>
          %and3A_282 = arith.andi %add3A_279, %and3A_281 : vector<16xi32>
          %gather3A_283 = tpu.vector_load_idx %arg12[%add3A_170, %and3A_282] : memref<80x128xf32, #tpu.memory_space<vmem>>[vector<16xi32>, vector<16xi32>], vector<16xf32>,
          %gather3A_284 = tpu.vector_load_idx %arg14[%add3A_170, %and3A_282] : memref<80x128xf32, #tpu.memory_space<vmem>>[vector<16xi32>, vector<16xi32>], vector<16xf32>,
          %mul3A_285 = arith.mulf %gather3A_283, %gather3A_284 : vector<16xf32>
          %add3A_286 = arith.addf %add3A_271, %mul3A_285 : vector<16xf32>
          %mul3A_287 = arith.mulf %gather3A_283, %gather3A_283 : vector<16xf32>
          %add3A_288 = arith.addf %add3A_273, %mul3A_287 : vector<16xf32>
          %mul3A_289 = arith.mulf %gather3A_284, %gather3A_284 : vector<16xf32>
          %add3A_290 = arith.addf %add3A_275, %mul3A_289 : vector<16xf32>
          %scan3A_291 = arith.constant 2 : i32
          %scan3A_292 = arith.addi %scan3A_261, %scan3A_291 : i32
          %add3A_293 = vector.broadcast %scan3A_292 : i32 to vector<16xi32>
          %add3A_294 = arith.addi %iota3A, %add3A_293 : vector<16xi32>
          %and3A_295 = arith.constant 127 : i32
          %and3A_296 = vector.broadcast %and3A_295 : i32 to vector<16xi32>
          %and3A_297 = arith.andi %add3A_294, %and3A_296 : vector<16xi32>
          %gather3A_298 = tpu.vector_load_idx %arg12[%add3A_170, %and3A_297] : memref<80x128xf32, #tpu.memory_space<vmem>>[vector<16xi32>, vector<16xi32>], vector<16xf32>,
          %gather3A_299 = tpu.vector_load_idx %arg14[%add3A_170, %and3A_297] : memref<80x128xf32, #tpu.memory_space<vmem>>[vector<16xi32>, vector<16xi32>], vector<16xf32>,
          %mul3A_300 = arith.mulf %gather3A_298, %gather3A_299 : vector<16xf32>
          %add3A_301 = arith.addf %add3A_286, %mul3A_300 : vector<16xf32>
          %mul3A_302 = arith.mulf %gather3A_298, %gather3A_298 : vector<16xf32>
          %add3A_303 = arith.addf %add3A_288, %mul3A_302 : vector<16xf32>
          %mul3A_304 = arith.mulf %gather3A_299, %gather3A_299 : vector<16xf32>
          %add3A_305 = arith.addf %add3A_290, %mul3A_304 : vector<16xf32>
          %scan3A_306 = arith.constant 3 : i32
          %scan3A_307 = arith.addi %scan3A_261, %scan3A_306 : i32
          %add3A_308 = vector.broadcast %scan3A_307 : i32 to vector<16xi32>
          %add3A_309 = arith.addi %iota3A, %add3A_308 : vector<16xi32>
          %and3A_310 = arith.constant 127 : i32
          %and3A_311 = vector.broadcast %and3A_310 : i32 to vector<16xi32>
          %and3A_312 = arith.andi %add3A_309, %and3A_311 : vector<16xi32>
          %gather3A_313 = tpu.vector_load_idx %arg12[%add3A_170, %and3A_312] : memref<80x128xf32, #tpu.memory_space<vmem>>[vector<16xi32>, vector<16xi32>], vector<16xf32>,
          %gather3A_314 = tpu.vector_load_idx %arg14[%add3A_170, %and3A_312] : memref<80x128xf32, #tpu.memory_space<vmem>>[vector<16xi32>, vector<16xi32>], vector<16xf32>,
          %mul3A_315 = arith.mulf %gather3A_313, %gather3A_314 : vector<16xf32>
          %add3A_316 = arith.addf %add3A_301, %mul3A_315 : vector<16xf32>
          %mul3A_317 = arith.mulf %gather3A_313, %gather3A_313 : vector<16xf32>
          %add3A_318 = arith.addf %add3A_303, %mul3A_317 : vector<16xf32>
          %mul3A_319 = arith.mulf %gather3A_314, %gather3A_314 : vector<16xf32>
          %add3A_320 = arith.addf %add3A_305, %mul3A_319 : vector<16xf32>
          scf.yield %add3A_316, %add3A_318, %add3A_320 : vector<16xf32>, vector<16xf32>, vector<16xf32>
        }
        %scan3A_177 = arith.constant 128 : i32
        %max3A = arith.constant 1.000000e-35 : f32
        %max3A_178 = vector.broadcast %max3A : f32 to vector<16xf32>
        %max3A_179 = arith.maximumf %scan3A_176#1, %max3A_178 : vector<16xf32>
        %max3A_180 = arith.constant 1.000000e-35 : f32
        %max3A_181 = vector.broadcast %max3A_180 : f32 to vector<16xf32>
        %max3A_182 = arith.maximumf %scan3A_176#2, %max3A_181 : vector<16xf32>
        %bitcast3A = vector.bitcast %max3A_179 : vector<16xf32> to vector<16xi32>
        %shift_right_arithmetic3A = arith.constant 1 : i32
        %shift_right_arithmetic3A_183 = vector.broadcast %shift_right_arithmetic3A : i32 to vector<16xi32>
        %shift_right_arithmetic3A_184 = arith.shrsi %bitcast3A, %shift_right_arithmetic3A_183 : vector<16xi32>
        %sub3A = arith.constant 1597463007 : i32
        %sub3A_185 = vector.broadcast %sub3A : i32 to vector<16xi32>
        %sub3A_186 = arith.subi %sub3A_185, %shift_right_arithmetic3A_184 : vector<16xi32>
        %bitcast3A_187 = vector.bitcast %sub3A_186 : vector<16xi32> to vector<16xf32>
        %mul3A_188 = arith.constant 5.000000e-01 : f32
        %mul3A_189 = vector.broadcast %mul3A_188 : f32 to vector<16xf32>
        %mul3A_190 = arith.mulf %mul3A_189, %max3A_179 : vector<16xf32>
        %mul3A_191 = arith.mulf %mul3A_190, %bitcast3A_187 : vector<16xf32>
        %mul3A_192 = arith.mulf %mul3A_191, %bitcast3A_187 : vector<16xf32>
        %sub3A_193 = arith.constant 1.500000e+00 : f32
        %sub3A_194 = vector.broadcast %sub3A_193 : f32 to vector<16xf32>
        %sub3A_195 = arith.subf %sub3A_194, %mul3A_192 : vector<16xf32>
        %mul3A_196 = arith.mulf %bitcast3A_187, %sub3A_195 : vector<16xf32>
        %mul3A_197 = arith.constant 5.000000e-01 : f32
        %mul3A_198 = vector.broadcast %mul3A_197 : f32 to vector<16xf32>
        %mul3A_199 = arith.mulf %mul3A_198, %max3A_179 : vector<16xf32>
        %mul3A_200 = arith.mulf %mul3A_199, %mul3A_196 : vector<16xf32>
        %mul3A_201 = arith.mulf %mul3A_200, %mul3A_196 : vector<16xf32>
        %sub3A_202 = arith.constant 1.500000e+00 : f32
        %sub3A_203 = vector.broadcast %sub3A_202 : f32 to vector<16xf32>
        %sub3A_204 = arith.subf %sub3A_203, %mul3A_201 : vector<16xf32>
        %mul3A_205 = arith.mulf %mul3A_196, %sub3A_204 : vector<16xf32>
        %mul3A_206 = arith.constant 5.000000e-01 : f32
        %mul3A_207 = vector.broadcast %mul3A_206 : f32 to vector<16xf32>
        %mul3A_208 = arith.mulf %mul3A_207, %max3A_179 : vector<16xf32>
        %mul3A_209 = arith.mulf %mul3A_208, %mul3A_205 : vector<16xf32>
        %mul3A_210 = arith.mulf %mul3A_209, %mul3A_205 : vector<16xf32>
        %sub3A_211 = arith.constant 1.500000e+00 : f32
        %sub3A_212 = vector.broadcast %sub3A_211 : f32 to vector<16xf32>
        %sub3A_213 = arith.subf %sub3A_212, %mul3A_210 : vector<16xf32>
        %mul3A_214 = arith.mulf %mul3A_205, %sub3A_213 : vector<16xf32>
        %mul3A_215 = arith.mulf %max3A_179, %mul3A_214 : vector<16xf32>
        %bitcast3A_216 = vector.bitcast %max3A_182 : vector<16xf32> to vector<16xi32>
        %shift_right_arithmetic3A_217 = arith.constant 1 : i32
        %shift_right_arithmetic3A_218 = vector.broadcast %shift_right_arithmetic3A_217 : i32 to vector<16xi32>
        %shift_right_arithmetic3A_219 = arith.shrsi %bitcast3A_216, %shift_right_arithmetic3A_218 : vector<16xi32>
        %sub3A_220 = arith.constant 1597463007 : i32
        %sub3A_221 = vector.broadcast %sub3A_220 : i32 to vector<16xi32>
        %sub3A_222 = arith.subi %sub3A_221, %shift_right_arithmetic3A_219 : vector<16xi32>
        %bitcast3A_223 = vector.bitcast %sub3A_222 : vector<16xi32> to vector<16xf32>
        %mul3A_224 = arith.constant 5.000000e-01 : f32
        %mul3A_225 = vector.broadcast %mul3A_224 : f32 to vector<16xf32>
        %mul3A_226 = arith.mulf %mul3A_225, %max3A_182 : vector<16xf32>
        %mul3A_227 = arith.mulf %mul3A_226, %bitcast3A_223 : vector<16xf32>
        %mul3A_228 = arith.mulf %mul3A_227, %bitcast3A_223 : vector<16xf32>
        %sub3A_229 = arith.constant 1.500000e+00 : f32
        %sub3A_230 = vector.broadcast %sub3A_229 : f32 to vector<16xf32>
        %sub3A_231 = arith.subf %sub3A_230, %mul3A_228 : vector<16xf32>
        %mul3A_232 = arith.mulf %bitcast3A_223, %sub3A_231 : vector<16xf32>
        %mul3A_233 = arith.constant 5.000000e-01 : f32
        %mul3A_234 = vector.broadcast %mul3A_233 : f32 to vector<16xf32>
        %mul3A_235 = arith.mulf %mul3A_234, %max3A_182 : vector<16xf32>
        %mul3A_236 = arith.mulf %mul3A_235, %mul3A_232 : vector<16xf32>
        %mul3A_237 = arith.mulf %mul3A_236, %mul3A_232 : vector<16xf32>
        %sub3A_238 = arith.constant 1.500000e+00 : f32
        %sub3A_239 = vector.broadcast %sub3A_238 : f32 to vector<16xf32>
        %sub3A_240 = arith.subf %sub3A_239, %mul3A_237 : vector<16xf32>
        %mul3A_241 = arith.mulf %mul3A_232, %sub3A_240 : vector<16xf32>
        %mul3A_242 = arith.constant 5.000000e-01 : f32
        %mul3A_243 = vector.broadcast %mul3A_242 : f32 to vector<16xf32>
        %mul3A_244 = arith.mulf %mul3A_243, %max3A_182 : vector<16xf32>
        %mul3A_245 = arith.mulf %mul3A_244, %mul3A_241 : vector<16xf32>
        %mul3A_246 = arith.mulf %mul3A_245, %mul3A_241 : vector<16xf32>
        %sub3A_247 = arith.constant 1.500000e+00 : f32
        %sub3A_248 = vector.broadcast %sub3A_247 : f32 to vector<16xf32>
        %sub3A_249 = arith.subf %sub3A_248, %mul3A_246 : vector<16xf32>
        %mul3A_250 = arith.mulf %mul3A_241, %sub3A_249 : vector<16xf32>
        %mul3A_251 = arith.mulf %max3A_182, %mul3A_250 : vector<16xf32>
        %mul3A_252 = arith.mulf %mul3A_215, %mul3A_251 : vector<16xf32>
        %add3A_253 = arith.constant 9.99999993E-9 : f32
        %add3A_254 = vector.broadcast %add3A_253 : f32 to vector<16xf32>
        %add3A_255 = arith.addf %mul3A_252, %add3A_254 : vector<16xf32>
        %div3A = arith.divf %scan3A_176#0, %add3A_255 : vector<16xf32>
        %mul3A_256 = arith.constant 16 : i32
        %mul3A_257 = arith.muli %scan3A_165, %mul3A_256 : i32
        %add3A_258 = arith.addi %mul3A_117, %mul3A_257 : i32
        %swap3A = arith.index_cast %add3A_258 : i32 to index
        %swap3A_259 = tpu.vector_load %arg16[%swap3A] {strides = array<i32>} : memref<10000xf32, #tpu.memory_space<vmem>>, vector<16xf32>,
        tpu.vector_store %arg16[%swap3A], %div3A {strides = array<i32>} : memref<10000xf32, #tpu.memory_space<vmem>>, vector<16xf32>,
        %scan3A_260 = arith.constant 0 : i32
        scf.yield %scan3A_260 : i32
      }
      %scan3A_124 = arith.constant 5 : i32
      %add3A_125 = arith.constant 1 : i32
      %add3A_126 = arith.addi %mul3A_89, %add3A_125 : i32
      %dma_wait3A_127 = arith.constant 0 : i32
      %dma_wait3A_128 = tpu.memref_slice %arg10[%add3A_126, %dma_wait3A_127] : memref<125x80xi32, #tpu.memory_space<vmem>> -> memref<1x80xi32, #tpu.memory_space<vmem>>
      %dma_wait3A_129 = tpu.memref_squeeze %dma_wait3A_128 : memref<1x80xi32, #tpu.memory_space<vmem>> -> memref<80xi32, #tpu.memory_space<vmem>>
      %dma_wait3A_130 = arith.constant 0 : i32
      %dma_wait3A_131 = arith.constant 0 : i32
      %dma_wait3A_132 = tpu.memref_slice %arg6[%dma_wait3A_130, %dma_wait3A_131] : memref<50000x128xf32, #tpu.memory_space<hbm>> -> memref<50000x128xf32, #tpu.memory_space<hbm>>
      tpu.wait_indirect_dma semaphore(%arg18 : memref<!tpu.dma_semaphore, #tpu.memory_space<semaphore_mem>>) src(%dma_wait3A_132 : memref<50000x128xf32, #tpu.memory_space<hbm>>) dst(%arg13 : memref<80x128xf32, #tpu.memory_space<vmem>>)
      %dma_wait3A_133 = arith.constant 0 : i32
      %dma_wait3A_134 = tpu.memref_slice %arg11[%add3A_126, %dma_wait3A_133] : memref<125x80xi32, #tpu.memory_space<vmem>> -> memref<1x80xi32, #tpu.memory_space<vmem>>
      %dma_wait3A_135 = tpu.memref_squeeze %dma_wait3A_134 : memref<1x80xi32, #tpu.memory_space<vmem>> -> memref<80xi32, #tpu.memory_space<vmem>>
      %dma_wait3A_136 = arith.constant 0 : i32
      %dma_wait3A_137 = arith.constant 0 : i32
      %dma_wait3A_138 = tpu.memref_slice %arg7[%dma_wait3A_136, %dma_wait3A_137] : memref<50000x128xf32, #tpu.memory_space<hbm>> -> memref<50000x128xf32, #tpu.memory_space<hbm>>
      tpu.wait_indirect_dma semaphore(%arg18 : memref<!tpu.dma_semaphore, #tpu.memory_space<semaphore_mem>>) src(%dma_wait3A_138 : memref<50000x128xf32, #tpu.memory_space<hbm>>) dst(%arg15 : memref<80x128xf32, #tpu.memory_space<vmem>>)
      %add3A_139 = arith.constant 2 : i32
      %add3A_140 = arith.addi %mul3A_89, %add3A_139 : i32
      %dma_start3A_141 = arith.constant 0 : i32
      %dma_start3A_142 = tpu.memref_slice %arg10[%add3A_140, %dma_start3A_141] : memref<125x80xi32, #tpu.memory_space<vmem>> -> memref<1x80xi32, #tpu.memory_space<vmem>>
      %dma_start3A_143 = tpu.memref_squeeze %dma_start3A_142 : memref<1x80xi32, #tpu.memory_space<vmem>> -> memref<80xi32, #tpu.memory_space<vmem>>
      %dma_start3A_144 = arith.constant 0 : i32
      %dma_start3A_145 = arith.constant 0 : i32
      %dma_start3A_146 = tpu.memref_slice %arg6[%dma_start3A_144, %dma_start3A_145] : memref<50000x128xf32, #tpu.memory_space<hbm>> -> memref<50000x128xf32, #tpu.memory_space<hbm>>
      tpu.enqueue_indirect_dma source(%dma_start3A_146 : memref<50000x128xf32, #tpu.memory_space<hbm>>) target(%arg12 : memref<80x128xf32, #tpu.memory_space<vmem>>) offsets(%dma_start3A_143 : memref<80xi32, #tpu.memory_space<vmem>>) semaphore(%arg17 : memref<!tpu.dma_semaphore, #tpu.memory_space<semaphore_mem>>)
      %dma_start3A_147 = arith.constant 0 : i32
      %dma_start3A_148 = tpu.memref_slice %arg11[%add3A_140, %dma_start3A_147] : memref<125x80xi32, #tpu.memory_space<vmem>> -> memref<1x80xi32, #tpu.memory_space<vmem>>
      %dma_start3A_149 = tpu.memref_squeeze %dma_start3A_148 : memref<1x80xi32, #tpu.memory_space<vmem>> -> memref<80xi32, #tpu.memory_space<vmem>>
      %dma_start3A_150 = arith.constant 0 : i32
      %dma_start3A_151 = arith.constant 0 : i32
      %dma_start3A_152 = tpu.memref_slice %arg7[%dma_start3A_150, %dma_start3A_151] : memref<50000x128xf32, #tpu.memory_space<hbm>> -> memref<50000x128xf32, #tpu.memory_space<hbm>>
      tpu.enqueue_indirect_dma source(%dma_start3A_152 : memref<50000x128xf32, #tpu.memory_space<hbm>>) target(%arg14 : memref<80x128xf32, #tpu.memory_space<vmem>>) offsets(%dma_start3A_149 : memref<80xi32, #tpu.memory_space<vmem>>) semaphore(%arg17 : memref<!tpu.dma_semaphore, #tpu.memory_space<semaphore_mem>>)
      %add3A_153 = arith.constant 1 : i32
      %add3A_154 = arith.addi %mul3A_89, %add3A_153 : i32
      %mul3A_155 = arith.constant 80 : i32
      %mul3A_156 = arith.muli %add3A_154, %mul3A_155 : i32
      %scan3A_157 = arith.constant 0 : i32
      %scan3A_158 = arith.constant 0 : i32
      %scan3A_159 = arith.constant 5 : i32
      %scan3A_160 = arith.addi %scan3A_158, %scan3A_159 : i32
      %scan3A_161 = arith.constant 1 : i32
      %scan3A_162 = scf.for %scan3A_165 = %scan3A_158 to %scan3A_160 step %scan3A_161 iter_args(%scan3A_166 = %scan3A_157) -> (i32)  : i32 {
        %iota3A = tpu.iota {dimensions = array<i32: 0>} : vector<16xi32>
        %mul3A_167 = arith.constant 16 : i32
        %mul3A_168 = arith.muli %scan3A_165, %mul3A_167 : i32
        %add3A_169 = vector.broadcast %mul3A_168 : i32 to vector<16xi32>
        %add3A_170 = arith.addi %iota3A, %add3A_169 : vector<16xi32>
        %broadcast_in_dim3A = arith.constant 0.000000e+00 : f32
        %broadcast_in_dim3A_171 = vector.broadcast %broadcast_in_dim3A : f32 to vector<16xf32>
        %scan3A_172 = arith.constant 0 : i32
        %scan3A_173 = arith.constant 128 : i32
        %scan3A_174 = arith.addi %scan3A_172, %scan3A_173 : i32
        %scan3A_175 = arith.constant 4 : i32
        %scan3A_176:3 = scf.for %scan3A_261 = %scan3A_172 to %scan3A_174 step %scan3A_175 iter_args(%scan3A_262 = %broadcast_in_dim3A_171, %scan3A_263 = %broadcast_in_dim3A_171, %scan3A_264 = %broadcast_in_dim3A_171) -> (vector<16xf32>, vector<16xf32>, vector<16xf32>)  : i32 {
          %add3A_265 = vector.broadcast %scan3A_261 : i32 to vector<16xi32>
          %add3A_266 = arith.addi %iota3A, %add3A_265 : vector<16xi32>
          %and3A = arith.constant 127 : i32
          %and3A_267 = vector.broadcast %and3A : i32 to vector<16xi32>
          %and3A_268 = arith.andi %add3A_266, %and3A_267 : vector<16xi32>
          %gather3A = tpu.vector_load_idx %arg13[%add3A_170, %and3A_268] : memref<80x128xf32, #tpu.memory_space<vmem>>[vector<16xi32>, vector<16xi32>], vector<16xf32>,
          %gather3A_269 = tpu.vector_load_idx %arg15[%add3A_170, %and3A_268] : memref<80x128xf32, #tpu.memory_space<vmem>>[vector<16xi32>, vector<16xi32>], vector<16xf32>,
          %mul3A_270 = arith.mulf %gather3A, %gather3A_269 : vector<16xf32>
          %add3A_271 = arith.addf %scan3A_262, %mul3A_270 : vector<16xf32>
          %mul3A_272 = arith.mulf %gather3A, %gather3A : vector<16xf32>
          %add3A_273 = arith.addf %scan3A_263, %mul3A_272 : vector<16xf32>
          %mul3A_274 = arith.mulf %gather3A_269, %gather3A_269 : vector<16xf32>
          %add3A_275 = arith.addf %scan3A_264, %mul3A_274 : vector<16xf32>
          %scan3A_276 = arith.constant 1 : i32
          %scan3A_277 = arith.addi %scan3A_261, %scan3A_276 : i32
          %add3A_278 = vector.broadcast %scan3A_277 : i32 to vector<16xi32>
          %add3A_279 = arith.addi %iota3A, %add3A_278 : vector<16xi32>
          %and3A_280 = arith.constant 127 : i32
          %and3A_281 = vector.broadcast %and3A_280 : i32 to vector<16xi32>
          %and3A_282 = arith.andi %add3A_279, %and3A_281 : vector<16xi32>
          %gather3A_283 = tpu.vector_load_idx %arg13[%add3A_170, %and3A_282] : memref<80x128xf32, #tpu.memory_space<vmem>>[vector<16xi32>, vector<16xi32>], vector<16xf32>,
          %gather3A_284 = tpu.vector_load_idx %arg15[%add3A_170, %and3A_282] : memref<80x128xf32, #tpu.memory_space<vmem>>[vector<16xi32>, vector<16xi32>], vector<16xf32>,
          %mul3A_285 = arith.mulf %gather3A_283, %gather3A_284 : vector<16xf32>
          %add3A_286 = arith.addf %add3A_271, %mul3A_285 : vector<16xf32>
          %mul3A_287 = arith.mulf %gather3A_283, %gather3A_283 : vector<16xf32>
          %add3A_288 = arith.addf %add3A_273, %mul3A_287 : vector<16xf32>
          %mul3A_289 = arith.mulf %gather3A_284, %gather3A_284 : vector<16xf32>
          %add3A_290 = arith.addf %add3A_275, %mul3A_289 : vector<16xf32>
          %scan3A_291 = arith.constant 2 : i32
          %scan3A_292 = arith.addi %scan3A_261, %scan3A_291 : i32
          %add3A_293 = vector.broadcast %scan3A_292 : i32 to vector<16xi32>
          %add3A_294 = arith.addi %iota3A, %add3A_293 : vector<16xi32>
          %and3A_295 = arith.constant 127 : i32
          %and3A_296 = vector.broadcast %and3A_295 : i32 to vector<16xi32>
          %and3A_297 = arith.andi %add3A_294, %and3A_296 : vector<16xi32>
          %gather3A_298 = tpu.vector_load_idx %arg13[%add3A_170, %and3A_297] : memref<80x128xf32, #tpu.memory_space<vmem>>[vector<16xi32>, vector<16xi32>], vector<16xf32>,
          %gather3A_299 = tpu.vector_load_idx %arg15[%add3A_170, %and3A_297] : memref<80x128xf32, #tpu.memory_space<vmem>>[vector<16xi32>, vector<16xi32>], vector<16xf32>,
          %mul3A_300 = arith.mulf %gather3A_298, %gather3A_299 : vector<16xf32>
          %add3A_301 = arith.addf %add3A_286, %mul3A_300 : vector<16xf32>
          %mul3A_302 = arith.mulf %gather3A_298, %gather3A_298 : vector<16xf32>
          %add3A_303 = arith.addf %add3A_288, %mul3A_302 : vector<16xf32>
          %mul3A_304 = arith.mulf %gather3A_299, %gather3A_299 : vector<16xf32>
          %add3A_305 = arith.addf %add3A_290, %mul3A_304 : vector<16xf32>
          %scan3A_306 = arith.constant 3 : i32
          %scan3A_307 = arith.addi %scan3A_261, %scan3A_306 : i32
          %add3A_308 = vector.broadcast %scan3A_307 : i32 to vector<16xi32>
          %add3A_309 = arith.addi %iota3A, %add3A_308 : vector<16xi32>
          %and3A_310 = arith.constant 127 : i32
          %and3A_311 = vector.broadcast %and3A_310 : i32 to vector<16xi32>
          %and3A_312 = arith.andi %add3A_309, %and3A_311 : vector<16xi32>
          %gather3A_313 = tpu.vector_load_idx %arg13[%add3A_170, %and3A_312] : memref<80x128xf32, #tpu.memory_space<vmem>>[vector<16xi32>, vector<16xi32>], vector<16xf32>,
          %gather3A_314 = tpu.vector_load_idx %arg15[%add3A_170, %and3A_312] : memref<80x128xf32, #tpu.memory_space<vmem>>[vector<16xi32>, vector<16xi32>], vector<16xf32>,
          %mul3A_315 = arith.mulf %gather3A_313, %gather3A_314 : vector<16xf32>
          %add3A_316 = arith.addf %add3A_301, %mul3A_315 : vector<16xf32>
          %mul3A_317 = arith.mulf %gather3A_313, %gather3A_313 : vector<16xf32>
          %add3A_318 = arith.addf %add3A_303, %mul3A_317 : vector<16xf32>
          %mul3A_319 = arith.mulf %gather3A_314, %gather3A_314 : vector<16xf32>
          %add3A_320 = arith.addf %add3A_305, %mul3A_319 : vector<16xf32>
          scf.yield %add3A_316, %add3A_318, %add3A_320 : vector<16xf32>, vector<16xf32>, vector<16xf32>
        }
        %scan3A_177 = arith.constant 128 : i32
        %max3A = arith.constant 1.000000e-35 : f32
        %max3A_178 = vector.broadcast %max3A : f32 to vector<16xf32>
        %max3A_179 = arith.maximumf %scan3A_176#1, %max3A_178 : vector<16xf32>
        %max3A_180 = arith.constant 1.000000e-35 : f32
        %max3A_181 = vector.broadcast %max3A_180 : f32 to vector<16xf32>
        %max3A_182 = arith.maximumf %scan3A_176#2, %max3A_181 : vector<16xf32>
        %bitcast3A = vector.bitcast %max3A_179 : vector<16xf32> to vector<16xi32>
        %shift_right_arithmetic3A = arith.constant 1 : i32
        %shift_right_arithmetic3A_183 = vector.broadcast %shift_right_arithmetic3A : i32 to vector<16xi32>
        %shift_right_arithmetic3A_184 = arith.shrsi %bitcast3A, %shift_right_arithmetic3A_183 : vector<16xi32>
        %sub3A = arith.constant 1597463007 : i32
        %sub3A_185 = vector.broadcast %sub3A : i32 to vector<16xi32>
        %sub3A_186 = arith.subi %sub3A_185, %shift_right_arithmetic3A_184 : vector<16xi32>
        %bitcast3A_187 = vector.bitcast %sub3A_186 : vector<16xi32> to vector<16xf32>
        %mul3A_188 = arith.constant 5.000000e-01 : f32
        %mul3A_189 = vector.broadcast %mul3A_188 : f32 to vector<16xf32>
        %mul3A_190 = arith.mulf %mul3A_189, %max3A_179 : vector<16xf32>
        %mul3A_191 = arith.mulf %mul3A_190, %bitcast3A_187 : vector<16xf32>
        %mul3A_192 = arith.mulf %mul3A_191, %bitcast3A_187 : vector<16xf32>
        %sub3A_193 = arith.constant 1.500000e+00 : f32
        %sub3A_194 = vector.broadcast %sub3A_193 : f32 to vector<16xf32>
        %sub3A_195 = arith.subf %sub3A_194, %mul3A_192 : vector<16xf32>
        %mul3A_196 = arith.mulf %bitcast3A_187, %sub3A_195 : vector<16xf32>
        %mul3A_197 = arith.constant 5.000000e-01 : f32
        %mul3A_198 = vector.broadcast %mul3A_197 : f32 to vector<16xf32>
        %mul3A_199 = arith.mulf %mul3A_198, %max3A_179 : vector<16xf32>
        %mul3A_200 = arith.mulf %mul3A_199, %mul3A_196 : vector<16xf32>
        %mul3A_201 = arith.mulf %mul3A_200, %mul3A_196 : vector<16xf32>
        %sub3A_202 = arith.constant 1.500000e+00 : f32
        %sub3A_203 = vector.broadcast %sub3A_202 : f32 to vector<16xf32>
        %sub3A_204 = arith.subf %sub3A_203, %mul3A_201 : vector<16xf32>
        %mul3A_205 = arith.mulf %mul3A_196, %sub3A_204 : vector<16xf32>
        %mul3A_206 = arith.constant 5.000000e-01 : f32
        %mul3A_207 = vector.broadcast %mul3A_206 : f32 to vector<16xf32>
        %mul3A_208 = arith.mulf %mul3A_207, %max3A_179 : vector<16xf32>
        %mul3A_209 = arith.mulf %mul3A_208, %mul3A_205 : vector<16xf32>
        %mul3A_210 = arith.mulf %mul3A_209, %mul3A_205 : vector<16xf32>
        %sub3A_211 = arith.constant 1.500000e+00 : f32
        %sub3A_212 = vector.broadcast %sub3A_211 : f32 to vector<16xf32>
        %sub3A_213 = arith.subf %sub3A_212, %mul3A_210 : vector<16xf32>
        %mul3A_214 = arith.mulf %mul3A_205, %sub3A_213 : vector<16xf32>
        %mul3A_215 = arith.mulf %max3A_179, %mul3A_214 : vector<16xf32>
        %bitcast3A_216 = vector.bitcast %max3A_182 : vector<16xf32> to vector<16xi32>
        %shift_right_arithmetic3A_217 = arith.constant 1 : i32
        %shift_right_arithmetic3A_218 = vector.broadcast %shift_right_arithmetic3A_217 : i32 to vector<16xi32>
        %shift_right_arithmetic3A_219 = arith.shrsi %bitcast3A_216, %shift_right_arithmetic3A_218 : vector<16xi32>
        %sub3A_220 = arith.constant 1597463007 : i32
        %sub3A_221 = vector.broadcast %sub3A_220 : i32 to vector<16xi32>
        %sub3A_222 = arith.subi %sub3A_221, %shift_right_arithmetic3A_219 : vector<16xi32>
        %bitcast3A_223 = vector.bitcast %sub3A_222 : vector<16xi32> to vector<16xf32>
        %mul3A_224 = arith.constant 5.000000e-01 : f32
        %mul3A_225 = vector.broadcast %mul3A_224 : f32 to vector<16xf32>
        %mul3A_226 = arith.mulf %mul3A_225, %max3A_182 : vector<16xf32>
        %mul3A_227 = arith.mulf %mul3A_226, %bitcast3A_223 : vector<16xf32>
        %mul3A_228 = arith.mulf %mul3A_227, %bitcast3A_223 : vector<16xf32>
        %sub3A_229 = arith.constant 1.500000e+00 : f32
        %sub3A_230 = vector.broadcast %sub3A_229 : f32 to vector<16xf32>
        %sub3A_231 = arith.subf %sub3A_230, %mul3A_228 : vector<16xf32>
        %mul3A_232 = arith.mulf %bitcast3A_223, %sub3A_231 : vector<16xf32>
        %mul3A_233 = arith.constant 5.000000e-01 : f32
        %mul3A_234 = vector.broadcast %mul3A_233 : f32 to vector<16xf32>
        %mul3A_235 = arith.mulf %mul3A_234, %max3A_182 : vector<16xf32>
        %mul3A_236 = arith.mulf %mul3A_235, %mul3A_232 : vector<16xf32>
        %mul3A_237 = arith.mulf %mul3A_236, %mul3A_232 : vector<16xf32>
        %sub3A_238 = arith.constant 1.500000e+00 : f32
        %sub3A_239 = vector.broadcast %sub3A_238 : f32 to vector<16xf32>
        %sub3A_240 = arith.subf %sub3A_239, %mul3A_237 : vector<16xf32>
        %mul3A_241 = arith.mulf %mul3A_232, %sub3A_240 : vector<16xf32>
        %mul3A_242 = arith.constant 5.000000e-01 : f32
        %mul3A_243 = vector.broadcast %mul3A_242 : f32 to vector<16xf32>
        %mul3A_244 = arith.mulf %mul3A_243, %max3A_182 : vector<16xf32>
        %mul3A_245 = arith.mulf %mul3A_244, %mul3A_241 : vector<16xf32>
        %mul3A_246 = arith.mulf %mul3A_245, %mul3A_241 : vector<16xf32>
        %sub3A_247 = arith.constant 1.500000e+00 : f32
        %sub3A_248 = vector.broadcast %sub3A_247 : f32 to vector<16xf32>
        %sub3A_249 = arith.subf %sub3A_248, %mul3A_246 : vector<16xf32>
        %mul3A_250 = arith.mulf %mul3A_241, %sub3A_249 : vector<16xf32>
        %mul3A_251 = arith.mulf %max3A_182, %mul3A_250 : vector<16xf32>
        %mul3A_252 = arith.mulf %mul3A_215, %mul3A_251 : vector<16xf32>
        %add3A_253 = arith.constant 9.99999993E-9 : f32
        %add3A_254 = vector.broadcast %add3A_253 : f32 to vector<16xf32>
        %add3A_255 = arith.addf %mul3A_252, %add3A_254 : vector<16xf32>
        %div3A = arith.divf %scan3A_176#0, %add3A_255 : vector<16xf32>
        %mul3A_256 = arith.constant 16 : i32
        %mul3A_257 = arith.muli %scan3A_165, %mul3A_256 : i32
        %add3A_258 = arith.addi %mul3A_156, %mul3A_257 : i32
        %swap3A = arith.index_cast %add3A_258 : i32 to index
        %swap3A_259 = tpu.vector_load %arg16[%swap3A] {strides = array<i32>} : memref<10000xf32, #tpu.memory_space<vmem>>, vector<16xf32>,
        tpu.vector_store %arg16[%swap3A], %div3A {strides = array<i32>} : memref<10000xf32, #tpu.memory_space<vmem>>, vector<16xf32>,
        %scan3A_260 = arith.constant 0 : i32
        scf.yield %scan3A_260 : i32
      }
      %scan3A_163 = arith.constant 5 : i32
      %scan3A_164 = arith.constant 0 : i32
      scf.yield %scan3A_164 : i32
    }
    %scan3A_62 = arith.constant 62 : i32
    %dma_wait3A_63 = arith.constant 124 : i32
    %dma_wait3A_64 = arith.constant 0 : i32
    %dma_wait3A_65 = tpu.memref_slice %arg10[%dma_wait3A_63, %dma_wait3A_64] : memref<125x80xi32, #tpu.memory_space<vmem>> -> memref<1x80xi32, #tpu.memory_space<vmem>>
    %dma_wait3A_66 = tpu.memref_squeeze %dma_wait3A_65 : memref<1x80xi32, #tpu.memory_space<vmem>> -> memref<80xi32, #tpu.memory_space<vmem>>
    %dma_wait3A_67 = arith.constant 0 : i32
    %dma_wait3A_68 = arith.constant 0 : i32
    %dma_wait3A_69 = tpu.memref_slice %arg6[%dma_wait3A_67, %dma_wait3A_68] : memref<50000x128xf32, #tpu.memory_space<hbm>> -> memref<50000x128xf32, #tpu.memory_space<hbm>>
    tpu.wait_indirect_dma semaphore(%arg17 : memref<!tpu.dma_semaphore, #tpu.memory_space<semaphore_mem>>) src(%dma_wait3A_69 : memref<50000x128xf32, #tpu.memory_space<hbm>>) dst(%arg12 : memref<80x128xf32, #tpu.memory_space<vmem>>)
    %dma_wait3A_70 = arith.constant 124 : i32
    %dma_wait3A_71 = arith.constant 0 : i32
    %dma_wait3A_72 = tpu.memref_slice %arg11[%dma_wait3A_70, %dma_wait3A_71] : memref<125x80xi32, #tpu.memory_space<vmem>> -> memref<1x80xi32, #tpu.memory_space<vmem>>
    %dma_wait3A_73 = tpu.memref_squeeze %dma_wait3A_72 : memref<1x80xi32, #tpu.memory_space<vmem>> -> memref<80xi32, #tpu.memory_space<vmem>>
    %dma_wait3A_74 = arith.constant 0 : i32
    %dma_wait3A_75 = arith.constant 0 : i32
    %dma_wait3A_76 = tpu.memref_slice %arg7[%dma_wait3A_74, %dma_wait3A_75] : memref<50000x128xf32, #tpu.memory_space<hbm>> -> memref<50000x128xf32, #tpu.memory_space<hbm>>
    tpu.wait_indirect_dma semaphore(%arg17 : memref<!tpu.dma_semaphore, #tpu.memory_space<semaphore_mem>>) src(%dma_wait3A_76 : memref<50000x128xf32, #tpu.memory_space<hbm>>) dst(%arg14 : memref<80x128xf32, #tpu.memory_space<vmem>>)
    %scan3A_77 = arith.constant 0 : i32
    %scan3A_78 = arith.constant 0 : i32
    %scan3A_79 = arith.constant 5 : i32
    %scan3A_80 = arith.addi %scan3A_78, %scan3A_79 : i32
    %scan3A_81 = arith.constant 1 : i32
    %scan3A_82 = scf.for %scan3A_86 = %scan3A_78 to %scan3A_80 step %scan3A_81 iter_args(%scan3A_87 = %scan3A_77) -> (i32)  : i32 {
      %iota3A = tpu.iota {dimensions = array<i32: 0>} : vector<16xi32>
      %mul3A_88 = arith.constant 16 : i32
      %mul3A_89 = arith.muli %scan3A_86, %mul3A_88 : i32
      %add3A_90 = vector.broadcast %mul3A_89 : i32 to vector<16xi32>
      %add3A_91 = arith.addi %iota3A, %add3A_90 : vector<16xi32>
      %broadcast_in_dim3A = arith.constant 0.000000e+00 : f32
      %broadcast_in_dim3A_92 = vector.broadcast %broadcast_in_dim3A : f32 to vector<16xf32>
      %scan3A_93 = arith.constant 0 : i32
      %scan3A_94 = arith.constant 128 : i32
      %scan3A_95 = arith.addi %scan3A_93, %scan3A_94 : i32
      %scan3A_96 = arith.constant 4 : i32
      %scan3A_97:3 = scf.for %scan3A_183 = %scan3A_93 to %scan3A_95 step %scan3A_96 iter_args(%scan3A_184 = %broadcast_in_dim3A_92, %scan3A_185 = %broadcast_in_dim3A_92, %scan3A_186 = %broadcast_in_dim3A_92) -> (vector<16xf32>, vector<16xf32>, vector<16xf32>)  : i32 {
        %add3A_187 = vector.broadcast %scan3A_183 : i32 to vector<16xi32>
        %add3A_188 = arith.addi %iota3A, %add3A_187 : vector<16xi32>
        %and3A = arith.constant 127 : i32
        %and3A_189 = vector.broadcast %and3A : i32 to vector<16xi32>
        %and3A_190 = arith.andi %add3A_188, %and3A_189 : vector<16xi32>
        %gather3A = tpu.vector_load_idx %arg12[%add3A_91, %and3A_190] : memref<80x128xf32, #tpu.memory_space<vmem>>[vector<16xi32>, vector<16xi32>], vector<16xf32>,
        %gather3A_191 = tpu.vector_load_idx %arg14[%add3A_91, %and3A_190] : memref<80x128xf32, #tpu.memory_space<vmem>>[vector<16xi32>, vector<16xi32>], vector<16xf32>,
        %mul3A_192 = arith.mulf %gather3A, %gather3A_191 : vector<16xf32>
        %add3A_193 = arith.addf %scan3A_184, %mul3A_192 : vector<16xf32>
        %mul3A_194 = arith.mulf %gather3A, %gather3A : vector<16xf32>
        %add3A_195 = arith.addf %scan3A_185, %mul3A_194 : vector<16xf32>
        %mul3A_196 = arith.mulf %gather3A_191, %gather3A_191 : vector<16xf32>
        %add3A_197 = arith.addf %scan3A_186, %mul3A_196 : vector<16xf32>
        %scan3A_198 = arith.constant 1 : i32
        %scan3A_199 = arith.addi %scan3A_183, %scan3A_198 : i32
        %add3A_200 = vector.broadcast %scan3A_199 : i32 to vector<16xi32>
        %add3A_201 = arith.addi %iota3A, %add3A_200 : vector<16xi32>
        %and3A_202 = arith.constant 127 : i32
        %and3A_203 = vector.broadcast %and3A_202 : i32 to vector<16xi32>
        %and3A_204 = arith.andi %add3A_201, %and3A_203 : vector<16xi32>
        %gather3A_205 = tpu.vector_load_idx %arg12[%add3A_91, %and3A_204] : memref<80x128xf32, #tpu.memory_space<vmem>>[vector<16xi32>, vector<16xi32>], vector<16xf32>,
        %gather3A_206 = tpu.vector_load_idx %arg14[%add3A_91, %and3A_204] : memref<80x128xf32, #tpu.memory_space<vmem>>[vector<16xi32>, vector<16xi32>], vector<16xf32>,
        %mul3A_207 = arith.mulf %gather3A_205, %gather3A_206 : vector<16xf32>
        %add3A_208 = arith.addf %add3A_193, %mul3A_207 : vector<16xf32>
        %mul3A_209 = arith.mulf %gather3A_205, %gather3A_205 : vector<16xf32>
        %add3A_210 = arith.addf %add3A_195, %mul3A_209 : vector<16xf32>
        %mul3A_211 = arith.mulf %gather3A_206, %gather3A_206 : vector<16xf32>
        %add3A_212 = arith.addf %add3A_197, %mul3A_211 : vector<16xf32>
        %scan3A_213 = arith.constant 2 : i32
        %scan3A_214 = arith.addi %scan3A_183, %scan3A_213 : i32
        %add3A_215 = vector.broadcast %scan3A_214 : i32 to vector<16xi32>
        %add3A_216 = arith.addi %iota3A, %add3A_215 : vector<16xi32>
        %and3A_217 = arith.constant 127 : i32
        %and3A_218 = vector.broadcast %and3A_217 : i32 to vector<16xi32>
        %and3A_219 = arith.andi %add3A_216, %and3A_218 : vector<16xi32>
        %gather3A_220 = tpu.vector_load_idx %arg12[%add3A_91, %and3A_219] : memref<80x128xf32, #tpu.memory_space<vmem>>[vector<16xi32>, vector<16xi32>], vector<16xf32>,
        %gather3A_221 = tpu.vector_load_idx %arg14[%add3A_91, %and3A_219] : memref<80x128xf32, #tpu.memory_space<vmem>>[vector<16xi32>, vector<16xi32>], vector<16xf32>,
        %mul3A_222 = arith.mulf %gather3A_220, %gather3A_221 : vector<16xf32>
        %add3A_223 = arith.addf %add3A_208, %mul3A_222 : vector<16xf32>
        %mul3A_224 = arith.mulf %gather3A_220, %gather3A_220 : vector<16xf32>
        %add3A_225 = arith.addf %add3A_210, %mul3A_224 : vector<16xf32>
        %mul3A_226 = arith.mulf %gather3A_221, %gather3A_221 : vector<16xf32>
        %add3A_227 = arith.addf %add3A_212, %mul3A_226 : vector<16xf32>
        %scan3A_228 = arith.constant 3 : i32
        %scan3A_229 = arith.addi %scan3A_183, %scan3A_228 : i32
        %add3A_230 = vector.broadcast %scan3A_229 : i32 to vector<16xi32>
        %add3A_231 = arith.addi %iota3A, %add3A_230 : vector<16xi32>
        %and3A_232 = arith.constant 127 : i32
        %and3A_233 = vector.broadcast %and3A_232 : i32 to vector<16xi32>
        %and3A_234 = arith.andi %add3A_231, %and3A_233 : vector<16xi32>
        %gather3A_235 = tpu.vector_load_idx %arg12[%add3A_91, %and3A_234] : memref<80x128xf32, #tpu.memory_space<vmem>>[vector<16xi32>, vector<16xi32>], vector<16xf32>,
        %gather3A_236 = tpu.vector_load_idx %arg14[%add3A_91, %and3A_234] : memref<80x128xf32, #tpu.memory_space<vmem>>[vector<16xi32>, vector<16xi32>], vector<16xf32>,
        %mul3A_237 = arith.mulf %gather3A_235, %gather3A_236 : vector<16xf32>
        %add3A_238 = arith.addf %add3A_223, %mul3A_237 : vector<16xf32>
        %mul3A_239 = arith.mulf %gather3A_235, %gather3A_235 : vector<16xf32>
        %add3A_240 = arith.addf %add3A_225, %mul3A_239 : vector<16xf32>
        %mul3A_241 = arith.mulf %gather3A_236, %gather3A_236 : vector<16xf32>
        %add3A_242 = arith.addf %add3A_227, %mul3A_241 : vector<16xf32>
        scf.yield %add3A_238, %add3A_240, %add3A_242 : vector<16xf32>, vector<16xf32>, vector<16xf32>
      }
      %scan3A_98 = arith.constant 128 : i32
      %max3A = arith.constant 1.000000e-35 : f32
      %max3A_99 = vector.broadcast %max3A : f32 to vector<16xf32>
      %max3A_100 = arith.maximumf %scan3A_97#1, %max3A_99 : vector<16xf32>
      %max3A_101 = arith.constant 1.000000e-35 : f32
      %max3A_102 = vector.broadcast %max3A_101 : f32 to vector<16xf32>
      %max3A_103 = arith.maximumf %scan3A_97#2, %max3A_102 : vector<16xf32>
      %bitcast3A = vector.bitcast %max3A_100 : vector<16xf32> to vector<16xi32>
      %shift_right_arithmetic3A = arith.constant 1 : i32
      %shift_right_arithmetic3A_104 = vector.broadcast %shift_right_arithmetic3A : i32 to vector<16xi32>
      %shift_right_arithmetic3A_105 = arith.shrsi %bitcast3A, %shift_right_arithmetic3A_104 : vector<16xi32>
      %sub3A = arith.constant 1597463007 : i32
      %sub3A_106 = vector.broadcast %sub3A : i32 to vector<16xi32>
      %sub3A_107 = arith.subi %sub3A_106, %shift_right_arithmetic3A_105 : vector<16xi32>
      %bitcast3A_108 = vector.bitcast %sub3A_107 : vector<16xi32> to vector<16xf32>
      %mul3A_109 = arith.constant 5.000000e-01 : f32
      %mul3A_110 = vector.broadcast %mul3A_109 : f32 to vector<16xf32>
      %mul3A_111 = arith.mulf %mul3A_110, %max3A_100 : vector<16xf32>
      %mul3A_112 = arith.mulf %mul3A_111, %bitcast3A_108 : vector<16xf32>
      %mul3A_113 = arith.mulf %mul3A_112, %bitcast3A_108 : vector<16xf32>
      %sub3A_114 = arith.constant 1.500000e+00 : f32
      %sub3A_115 = vector.broadcast %sub3A_114 : f32 to vector<16xf32>
      %sub3A_116 = arith.subf %sub3A_115, %mul3A_113 : vector<16xf32>
      %mul3A_117 = arith.mulf %bitcast3A_108, %sub3A_116 : vector<16xf32>
      %mul3A_118 = arith.constant 5.000000e-01 : f32
      %mul3A_119 = vector.broadcast %mul3A_118 : f32 to vector<16xf32>
      %mul3A_120 = arith.mulf %mul3A_119, %max3A_100 : vector<16xf32>
      %mul3A_121 = arith.mulf %mul3A_120, %mul3A_117 : vector<16xf32>
      %mul3A_122 = arith.mulf %mul3A_121, %mul3A_117 : vector<16xf32>
      %sub3A_123 = arith.constant 1.500000e+00 : f32
      %sub3A_124 = vector.broadcast %sub3A_123 : f32 to vector<16xf32>
      %sub3A_125 = arith.subf %sub3A_124, %mul3A_122 : vector<16xf32>
      %mul3A_126 = arith.mulf %mul3A_117, %sub3A_125 : vector<16xf32>
      %mul3A_127 = arith.constant 5.000000e-01 : f32
      %mul3A_128 = vector.broadcast %mul3A_127 : f32 to vector<16xf32>
      %mul3A_129 = arith.mulf %mul3A_128, %max3A_100 : vector<16xf32>
      %mul3A_130 = arith.mulf %mul3A_129, %mul3A_126 : vector<16xf32>
      %mul3A_131 = arith.mulf %mul3A_130, %mul3A_126 : vector<16xf32>
      %sub3A_132 = arith.constant 1.500000e+00 : f32
      %sub3A_133 = vector.broadcast %sub3A_132 : f32 to vector<16xf32>
      %sub3A_134 = arith.subf %sub3A_133, %mul3A_131 : vector<16xf32>
      %mul3A_135 = arith.mulf %mul3A_126, %sub3A_134 : vector<16xf32>
      %mul3A_136 = arith.mulf %max3A_100, %mul3A_135 : vector<16xf32>
      %bitcast3A_137 = vector.bitcast %max3A_103 : vector<16xf32> to vector<16xi32>
      %shift_right_arithmetic3A_138 = arith.constant 1 : i32
      %shift_right_arithmetic3A_139 = vector.broadcast %shift_right_arithmetic3A_138 : i32 to vector<16xi32>
      %shift_right_arithmetic3A_140 = arith.shrsi %bitcast3A_137, %shift_right_arithmetic3A_139 : vector<16xi32>
      %sub3A_141 = arith.constant 1597463007 : i32
      %sub3A_142 = vector.broadcast %sub3A_141 : i32 to vector<16xi32>
      %sub3A_143 = arith.subi %sub3A_142, %shift_right_arithmetic3A_140 : vector<16xi32>
      %bitcast3A_144 = vector.bitcast %sub3A_143 : vector<16xi32> to vector<16xf32>
      %mul3A_145 = arith.constant 5.000000e-01 : f32
      %mul3A_146 = vector.broadcast %mul3A_145 : f32 to vector<16xf32>
      %mul3A_147 = arith.mulf %mul3A_146, %max3A_103 : vector<16xf32>
      %mul3A_148 = arith.mulf %mul3A_147, %bitcast3A_144 : vector<16xf32>
      %mul3A_149 = arith.mulf %mul3A_148, %bitcast3A_144 : vector<16xf32>
      %sub3A_150 = arith.constant 1.500000e+00 : f32
      %sub3A_151 = vector.broadcast %sub3A_150 : f32 to vector<16xf32>
      %sub3A_152 = arith.subf %sub3A_151, %mul3A_149 : vector<16xf32>
      %mul3A_153 = arith.mulf %bitcast3A_144, %sub3A_152 : vector<16xf32>
      %mul3A_154 = arith.constant 5.000000e-01 : f32
      %mul3A_155 = vector.broadcast %mul3A_154 : f32 to vector<16xf32>
      %mul3A_156 = arith.mulf %mul3A_155, %max3A_103 : vector<16xf32>
      %mul3A_157 = arith.mulf %mul3A_156, %mul3A_153 : vector<16xf32>
      %mul3A_158 = arith.mulf %mul3A_157, %mul3A_153 : vector<16xf32>
      %sub3A_159 = arith.constant 1.500000e+00 : f32
      %sub3A_160 = vector.broadcast %sub3A_159 : f32 to vector<16xf32>
      %sub3A_161 = arith.subf %sub3A_160, %mul3A_158 : vector<16xf32>
      %mul3A_162 = arith.mulf %mul3A_153, %sub3A_161 : vector<16xf32>
      %mul3A_163 = arith.constant 5.000000e-01 : f32
      %mul3A_164 = vector.broadcast %mul3A_163 : f32 to vector<16xf32>
      %mul3A_165 = arith.mulf %mul3A_164, %max3A_103 : vector<16xf32>
      %mul3A_166 = arith.mulf %mul3A_165, %mul3A_162 : vector<16xf32>
      %mul3A_167 = arith.mulf %mul3A_166, %mul3A_162 : vector<16xf32>
      %sub3A_168 = arith.constant 1.500000e+00 : f32
      %sub3A_169 = vector.broadcast %sub3A_168 : f32 to vector<16xf32>
      %sub3A_170 = arith.subf %sub3A_169, %mul3A_167 : vector<16xf32>
      %mul3A_171 = arith.mulf %mul3A_162, %sub3A_170 : vector<16xf32>
      %mul3A_172 = arith.mulf %max3A_103, %mul3A_171 : vector<16xf32>
      %mul3A_173 = arith.mulf %mul3A_136, %mul3A_172 : vector<16xf32>
      %add3A_174 = arith.constant 9.99999993E-9 : f32
      %add3A_175 = vector.broadcast %add3A_174 : f32 to vector<16xf32>
      %add3A_176 = arith.addf %mul3A_173, %add3A_175 : vector<16xf32>
      %div3A = arith.divf %scan3A_97#0, %add3A_176 : vector<16xf32>
      %mul3A_177 = arith.constant 16 : i32
      %mul3A_178 = arith.muli %scan3A_86, %mul3A_177 : i32
      %add3A_179 = arith.constant 9920 : i32
      %add3A_180 = arith.addi %add3A_179, %mul3A_178 : i32
      %swap3A = arith.index_cast %add3A_180 : i32 to index
      %swap3A_181 = tpu.vector_load %arg16[%swap3A] {strides = array<i32>} : memref<10000xf32, #tpu.memory_space<vmem>>, vector<16xf32>,
      tpu.vector_store %arg16[%swap3A], %div3A {strides = array<i32>} : memref<10000xf32, #tpu.memory_space<vmem>>, vector<16xf32>,
      %scan3A_182 = arith.constant 0 : i32
      scf.yield %scan3A_182 : i32
    }
    %scan3A_83 = arith.constant 5 : i32
    %mul3A_84 = arith.constant 10000 : i32
    %mul3A_85 = arith.muli %add3A, %mul3A_84 : i32
    "tpu.region"() ({
      %run_scoped3A = tpu.sem_alloc : memref<!tpu.dma_semaphore, #tpu.memory_space<semaphore_mem>>
      %dma_start3A_86 = tpu.memref_slice %arg9[%mul3A_85] : memref<320000xf32, #tpu.memory_space<hbm>> -> memref<10000xf32, #tpu.memory_space<hbm>>
      %dma_start3A_87 = tpu.memref_slice %arg9[%mul3A_85] : memref<320000xf32, #tpu.memory_space<hbm>> -> memref<10000xf32, #tpu.memory_space<hbm>>
      tpu.enqueue_dma source(%arg16 : memref<10000xf32, #tpu.memory_space<vmem>>) target(%dma_start3A_87 : memref<10000xf32, #tpu.memory_space<hbm>>) target_semaphore(%run_scoped3A : memref<!tpu.dma_semaphore, #tpu.memory_space<semaphore_mem>>)
      %dma_wait3A_88 = tpu.memref_slice %arg9[%mul3A_85] : memref<320000xf32, #tpu.memory_space<hbm>> -> memref<10000xf32, #tpu.memory_space<hbm>>
      %dma_wait3A_89 = tpu.memref_slice %arg9[%mul3A_85] : memref<320000xf32, #tpu.memory_space<hbm>> -> memref<10000xf32, #tpu.memory_space<hbm>>
      tpu.wait_dma2 semaphore(%run_scoped3A : memref<!tpu.dma_semaphore, #tpu.memory_space<semaphore_mem>>) src(%arg16 : memref<10000xf32, #tpu.memory_space<vmem>>) dst(%dma_wait3A_89 : memref<10000xf32, #tpu.memory_space<hbm>>)
      tpu.yield
    }) : () -> ()
    return
  }
}

</mosaic_0001>

<sc_bundles>
// kernel: kernel.3.cloned.1.call-start
scs
__scs_entry_jumppad:
0x0: {  	(pc) =	sbr.rel $0x88, $3  }
0x1: {  	(tag) =	ssettag $0x0;
	lr =	simm.s32 $0x1  }
0x2: {  	[smem:$0x3F9B] =	sst lr;
	_ =	strace $0xD0000000  }
0x3: {  	_ = 	snop  }
0x4: {  	_ = 	snop  }
0x5: {  	_ = 	snop  }
0x6: {  	_ = 	snop  }
0x7: {  	_ = 	snop  }
__scs_overlays_trampoline_lowered:
0x8: {  	[smem:$0x3FAA] =	sst s0  }
0x9: {  	[smem:$0x3FAB] =	sst s1  }
0xa: {  	[smem:$0x3FAC] =	sst s2  }
0xb: {  	[smem:$0x3FAD] =	sst s3  }
0xc: {  	[smem:$0x3FAE] =	sst s4  }
0xd: {  	[smem:$0x3FAF] =	sst s5  }
0xe: {  	[smem:$0x3FB0] =	sst s6  }
0xf: {  	[smem:$0x3FB1] =	sst s7  }
0x10: {  	[smem:$0x3FB2] =	sst s8  }
0x11: {  	[smem:$0x3FB3] =	sst s9;
	s0 =	simm.s32 @!p0 $0x0  }
0x12: {  	s1 =	sld [smem:$0x3F99];
	s0 =	simm.s32 @p0 $0x1  }
0x13: {  	[smem:$0x3FB4] =	sst s0;
	s0 =	simm.s32 @!p1 $0x0  }
0x14: {  	s2 =	sld [smem:$0x3F98];
	s0 =	simm.s32 @p1 $0x1  }
0x15: {  	[smem:$0x3FB5] =	sst s0;
	s0 =	simm.s32 @!p2 $0x0  }
0x16: {  	s3 =	sld [smem:$0x3FDB];
	s0 =	simm.s32 @p2 $0x1  }
0x17: {  	s4 =	simm.s32 $0x1BF5;
	[smem:$0x3FB7] =	sst s0  }
0x18: {  	s0 =	sld [smem:$0x3F9A];
	_ =	swait.ge [sflag:s4], $0x0  }
0x19: {  	s7 =	sld [smem:$0x3F9B]  }
0x1a: {  	s8 =	sadd.s32 $0xFFFFE003, lr  }
0x1b: {  	s9 =	sadd.s32 $0xFFFFFEF7, lr;
	s5 =	simm.s32 $0xFFFFFFFF;
	p2 =	slt.u32 s8, $0xFFFFF086  }
0x1c: {  	p1 =	slt.u32 s9, $0xF7A;
	s5 =	simm.s32 @!p2 $0x0  }
0x1d: {  	s5 =	simm.s32 @p1 $0x1;
	p0 =	seq.s32 s7, s2  }
0x1e: {  	s7 =	smul.u32 @!p0 $0xF7A, s2;
	p2 =	seq.s32 @!p0 s5, $0x0  }
0x1f: {  	s9 =	smul.u32 $0xF7A, s1;
	s8 =	simm.s32 @!p0 $0x1BF5;
	p2 =	por !p2, p0  }
0x20: {  	[sflag:s8] =	ssyncset.s32 @!p0 $0xFFFFF086;
	s6 =	sadd.s32 @!p0 s3, s7;
	s7 =	simm.s32 @!p0 $0x108  }
0x21: {  	s3 =	sadd.s32 s3, s9;
	s6 =	sadd.s32 @!p0 $0x88, s6;
	s7 =	simm.s32 @p2 $0x1082  }
0x22: {  	[simem:s7], [sflag:s8] =	dma.local @!p0 [hbm:s6], $0xF7A  }
0x23: {  	s9 =	sor.u32 $0xD0000000, s2;
	s6 =	simm.s32 $0x108;
	_ =	swait.ge @!p0 [sflag:s8], $0x0  }
0x24: {  	s3 =	sadd.s32 $0x88, s3;
	s6 =	simm.s32 @!p1 $0x1082;
	[sflag:s4] =	ssyncset.s32 $0xFFFFF086  }
0x25: {  	[simem:s6], [sflag:s4] =	dma.local [hbm:s3], $0xF7A  }
0x26: {  	[smem:$0x3F9B] =	sst s1;
	(tag) =	ssettag s2;
	_ =	strace s9  }
0x27: {  	s1 =	sld [smem:$0x3FAB]  }
0x28: {  	s2 =	sld [smem:$0x3FAC]  }
0x29: {  	s4 =	sld [smem:$0x3FAE]  }
0x2a: {  	p0 =	seq.s32 s5, $0x0;
	s5 =	sld [smem:$0x3FAF]  }
0x2b: {  	s6 =	sld [smem:$0x3FB0]  }
0x2c: {  	s7 =	sld [smem:$0x3FB1]  }
0x2d: {  	s3 =	simm.s32 $0x108;
	s8 =	sld [smem:$0x3FB2]  }
0x2e: {  	s3 =	simm.s32 @!p0 $0x1082;
	s9 =	sld [smem:$0x3FB3]  }
0x2f: {  	lr =	sadd.s32 s0, s3;
	s0 =	sld [smem:$0x3FAA]  }
0x30: {  	s3 =	sld [smem:$0x3FAD]  }
0x31: {  	[smem:$0x3FB6] =	sst s10  }
0x32: {  	s10 =	sld [smem:$0x3FB4];
	_ =	sdelay $0x3  }
0x33: {  	p0 =	seq.s32 s10, $0x1;
	s10 =	sld [smem:$0x3FB6];
	_ =	sdelay $0x3  }
0x34: {  	[smem:$0x3FB6] =	sst s10  }
0x35: {  	s10 =	sld [smem:$0x3FB5];
	_ =	sdelay $0x3  }
0x36: {  	p1 =	seq.s32 s10, $0x1;
	s10 =	sld [smem:$0x3FB6];
	_ =	sdelay $0x3  }
0x37: {  	[smem:$0x3FB6] =	sst s10  }
0x38: {  	s10 =	sld [smem:$0x3FB7]  }
0x39: {  	_ = 	snop;
	(pc) =	sbr.ind lr, $3  }
0x3a: {  	_ = 	snop  }
0x3b: {  	_ = 	snop  }
0x3c: {  	p2 =	seq.s32 s10, $0x1;
	s10 =	sld [smem:$0x3FB6]  }
0x3d: {  	_ =	shalt  }
0x3e: {  	_ =	shalt  }
0x3f: {  	_ =	shalt  }
0x40: {  	_ =	shalt  }
0x41: {  	_ =	shalt  }
0x42: {  	_ =	shalt  }
0x43: {  	_ =	shalt  }
0x44: {  	_ =	shalt  }
0x45: {  	_ =	shalt  }
0x46: {  	_ =	shalt  }
0x47: {  	_ =	shalt  }
0x48: {  	_ =	shalt  }
0x49: {  	_ =	shalt  }
0x4a: {  	_ =	shalt  }
0x4b: {  	_ =	shalt  }
0x4c: {  	_ =	shalt  }
0x4d: {  	_ =	shalt  }
0x4e: {  	_ =	shalt  }
0x4f: {  	_ =	shalt  }
0x50: {  	_ =	shalt  }
0x51: {  	_ =	shalt  }
0x52: {  	_ =	shalt  }
0x53: {  	_ =	shalt  }
0x54: {  	_ =	shalt  }
0x55: {  	_ =	shalt  }
0x56: {  	_ =	shalt  }
0x57: {  	_ =	shalt  }
0x58: {  	_ =	shalt  }
0x59: {  	_ =	shalt  }
0x5a: {  	_ =	shalt  }
0x5b: {  	_ =	shalt  }
0x5c: {  	_ =	shalt  }
0x5d: {  	_ =	shalt  }
0x5e: {  	_ =	shalt  }
0x5f: {  	_ =	shalt  }
0x60: {  	_ =	shalt  }
0x61: {  	_ =	shalt  }
0x62: {  	_ =	shalt  }
0x63: {  	_ =	shalt  }
0x64: {  	_ =	shalt  }
0x65: {  	_ =	shalt  }
0x66: {  	_ =	shalt  }
0x67: {  	_ =	shalt  }
0x68: {  	_ =	shalt  }
0x69: {  	_ =	shalt  }
0x6a: {  	_ =	shalt  }
0x6b: {  	_ =	shalt  }
0x6c: {  	_ =	shalt  }
0x6d: {  	_ =	shalt  }
0x6e: {  	_ =	shalt  }
0x6f: {  	_ =	shalt  }
0x70: {  	_ =	shalt  }
0x71: {  	_ =	shalt  }
0x72: {  	_ =	shalt  }
0x73: {  	_ =	shalt  }
0x74: {  	_ =	shalt  }
0x75: {  	_ =	shalt  }
0x76: {  	_ =	shalt  }
0x77: {  	_ =	shalt  }
0x78: {  	_ =	shalt  }
0x79: {  	_ =	shalt  }
0x7a: {  	_ =	shalt  }
0x7b: {  	_ =	shalt  }
0x7c: {  	_ =	shalt  }
0x7d: {  	_ =	shalt  }
0x7e: {  	_ =	shalt  }
0x7f: {  	_ =	shalt  }
0x80: {  	_ =	shalt  }
0x81: {  	_ =	shalt  }
0x82: {  	_ =	shalt  }
0x83: {  	_ =	shalt  }
0x84: {  	_ =	shalt  }
0x85: {  	_ =	shalt  }
0x86: {  	_ =	shalt  }
0x87: {  	_ =	shalt  }
.Lfunc_end0:
.L_simem_size_0:
called_computation_lowered:
.L_overlay_start_0:
0x88: {  	s2 =	sld [smem:$0x3FD9]  }
0x89: {  	s3 =	sld [smem:$0x3FFE];
	_ =	sdelay $0x1  }
0x8a: {  	s1 =	srdreg.scid  }
0x8b: {  	s0 =	sand.u32 $0x1, s1  }
0x8c: {  	s14 =	sshll.u32 s0, $0xA;
	s2 =	sadd.s32 s3, s2  }
0x8d: {  	s2 =	sadd.s32 s2, s14  }
0x8e: {  	[smem:$0x3FC2] =	sst s2  }
0x8f: {  	_ = 	snop  }
0x90: {  	s2 =	sld [smem:$0x3FD0];
	_ =	sdelay $0x1  }
0x91: {  	s15 =	sld [smem:$0x3FC9]  }
0x92: {  	s5 =	simm.s32 $0xA;
	s6 =	simm.s32 $0x10;
	s4 =	sld [smem:$0x3FC8]  }
0x93: {  	[smem:s6], [sflag:s5] =	dma.local [hbm:s2], $0x1  }
0x94: {  	_ =	swait.eq [sflag:s5], $0x1  }
0x95: {  	[sflag:s5] =	ssyncset.done $0x0  }
0x96: {  	s16 =	sld [smem:$0x10];
	[sflag:s5] =	ssyncadd.s32 $0xFFFFFFFF  }
0x97: {  	s17 =	sld [smem:$0x11];
	(tm) =	ssettm $0x1  }
0x98: {  	s18 =	sld [smem:$0x3FFB];
	_ =	sdelay $0x3  }
0x99: {  	_ =	strace s18  }
0x9a: {  	s6 =	sld [smem:$0x3FFC];
	_ =	sdelay $0x3  }
0x9b: {  	_ =	strace s6  }
0x9c: {  	s6 =	sld [smem:$0x3FFD];
	_ =	sdelay $0x3  }
0x9d: {  	_ =	strace s6  }
0x9e: {  	_ =	strace $0x8FFFFFFF  }
0x9f: {  	s19 =	sld [smem:$0x3FDB];
	_ =	sdelay $0x1  }
0xa0: {  	s7 =	simm.s32 $_scs_section_size  }
0xa1: {  	s8 =	simm.s32 $_size__tile_overlayer_lowered;
	s9 =	simm.s32 $_tile_overlayer_lowered  }
0xa2: {  	s22 =	simm.s32 $0x1BFF;
	s21 =	sshll.u32 s9, $0x1;
	s6 =	sadd.s32 s7, s19  }
0xa3: {  	s10 =	simm.s32 $0x0;
	s20 =	sshll.u32 s8, $0x1;
	s8 =	sadd.s32 s21, s6  }
0xa4: {  	[timem:s10], [sflag:s22] =	dma.local [hbm:s8], s20  }
0xa5: {  	_ =	swait.ge [sflag:s22], s20  }
0xa6: {  	s7 =	ssub.s32 $0x0, s20;
	[sflag:s22] =	ssyncset.done $0x0  }
0xa7: {  	[sflag:s22] =	ssyncadd.s32 s7;
	_ =	sdelay $0x1  }
0xa8: {  	s23 =	simm.s32 $0x1B8B  }
0xa9: {  	_ =	swait.ge [sflag:s23], $0x1  }
0xaa: {  	[sflag:s23] =	ssyncset.done $0x0  }
0xab: {  	s25 =	simm.s32 $0x1B8E;
	s24 =	sld [smem:$0x3FFE];
	[sflag:s23] =	ssyncadd.s32 $0xFFFFFFFF  }
0xac: {  	s26 =	simm.s32 $execute0_lowered;
	[smem:$0x3FD2] =	sst s25  }
0xad: {  	s8 =	sshll.u32 s26, $0x1;
	_ =	strace $0x80000046;
	[dreg:$0x1] =	wrdreg $0xFFFFFFFF  }
0xae: {  	s28 =	simm.s32 $_size_execute0_lowered;
	s6 =	sadd.s32 s6, s8;
	[dreg:$0x0] =	wrdreg $0x0  }
0xaf: {  	s8 =	sshll.u32 s28, $0x1;
	[dreg:$0x2] =	wrdreg s6  }
0xb0: {  	[dreg:$0x3] =	wrdreg s8  }
0xb1: {  	[dreg:$0x4] =	wrdreg $0xC0  }
0xb2: {  	_ =	task [dreg:s10], $0x5FFFF  }
0xb3: {  	[dreg:$0x1] =	wrdreg $0xFFFFFFFF  }
0xb4: {  	[dreg:$0x0] =	wrdreg $0x60  }
0xb5: {  	[dreg:$0x2] =	wrdreg s24  }
0xb6: {  	[dreg:$0x3] =	wrdreg s15  }
0xb7: {  	[dreg:$0x4] =	wrdreg s4  }
0xb8: {  	[dreg:$0x5] =	wrdreg s16  }
0xb9: {  	[dreg:$0x6] =	wrdreg s17  }
0xba: {  	[dreg:$0x7] =	wrdreg $0x9  }
0xbb: {  	_ =	task.clear_ibuf [dreg:s10], $0x8FFFF;
	_ =	strace $0x90000046  }
0xbc: {  	s29 =	simm.s32 $0x9;
	_ =	strace $0x80000048  }
0xbd: {  	_ =	swait.ge [sflag:s29], $0x1  }
0xbe: {  	[sflag:s29] =	ssyncadd.s32 $0xFFFFFFFF  }
0xbf: {  	_ =	strace $0x90000048  }
0xc0: {  	_ =	sfence  }
0xc1: {  	s30 =	sld [smem:$0x0];
	_ =	sdelay $0x2  }
0xc2: {  	s31 =	sshll.u32 s1, $0xD;
	s1 =	sshrl.u32 s1, $0x2  }
0xc3: {  	s3 =	sand.u32 $0x4000, s31;
	s1 =	sadd.s32 s1, s30  }
0xc4: {  	s0 =	sor.u32 s3, s0;
	s1 =	sshll.u32 s1, $0x11  }
0xc5: {  	s0 =	sor.u32 s1, s0  }
0xc6: {  	s0 =	sadd.s32 $0x8F2B, s0  }
0xc7: {  	[sflag:s0] =	ssyncadd.remote.s32 $0x1  }
0xc8: {  	_ =	sfence.sel $0xFFFF  }
0xc9: {  	[dreg:$0x0] =	wrdreg $0xFFFFFFFF;
	(pc) =	sbr.abs _section_cstart, $3  }
0xca: {  	[dreg:$0x1] =	wrdreg $0xFFFFFFFF  }
0xcb: {  	_ =	task.clear_ibuf [dreg:s10], $0x2FFFF;
	_ =	strace $0x9FFFFFFF  }
0xcc: {  	(tm) =	ssettm $0x7FFFFFFF  }
0xcd: {  	_ =	shalt  }
tec
execute0_lowered:
.L_overlay_start_1:
0x0: {  	(tag) =	ssettag $0x1  }
0x1: {  	s5 =	rddreg [dreg:$0x0]  }
0x2: {  	s1 =	rddreg [dreg:$0x1]  }
0x3: {  	s2 =	rddreg [dreg:$0x2]  }
0x4: {  	s7 =	rddreg [dreg:$0x3]  }
0x5: {  	s10 =	rddreg [dreg:$0x4]  }
0x6: {  	s0 =	rddreg [dreg:$0x5]  }
0x7: {  	s6 =	srdreg.scid;
	s3 =	stileid.u32  }
0x8: {  	s4 =	simm.s32 $0x0;
	s13 =	simm.s32 $0x4000;
	s14 =	simm.s32 $0x50  }
0x9: {  	s15 =	simm.s32 $0x8000;
	s16 =	simm.s32 $0xD000;
	s17 =	simm.s32 $0x1  }
0xa: {  	s18 =	simm.s32 $0xA800;
	s19 =	simm.s32 $0xF800;
	s20 =	simm.s32 $0x2  }
0xb: {  	s21 =	simm.s32 $0x12000;
	s6 =	sand.u32 $0x1, s6;
	s8 =	sshll.u32 s3, $0x1  }
0xc: {  	s22 =	simm.s32 $0x0;
	[smem:$0x7FF] =	sst s4;
	s8 =	sor.u32 s6, s8  }
0xd: {  	s6 =	ssub.s32 $0x2, s6;
	_ =	strace $0x80000047;
	s9 =	sshll.u32 s8, $0xB  }
0xe: {  	s11 =	sshrl.u32 s6, $0x1;
	s12 =	smul.u32 $0x4E2, s8;
	s9 =	sadd.s32 s9, s5  }
0xf: {  	s11 =	ssub.s32 s6, s11;
	s5 =	sadd.s32 $0xC00, s9;
	s6 =	sadd.s32 $0x10C00, s9  }
0x10: {  	v0 =	vlaneseq.u32;
	s7 =	sadd.s32 s7, s12;
	s8 =	sadd.s32 $0x20C00, s9;
	s9 =	sadd.s32 $0x30C00, s9  }
0x11: {  	v1 =	vmul.u32 $0x80, v0;
	s10 =	sadd.s32 s10, s12;
	s11 =	smax.u32 s11, $0x1;
	s12 =	simm.s32 $0x3  }
.LBB2_1:
0x12: {  	[tilespmem:s4], [sflag:$0x3] =	stream.linear.gather [hbm4b:s5+s4], $0x3E80, $0x38;
	[tilespmem:$0x14780] =	vst v63  }
0x13: {  	_ =	swait.ge [sflag:s12], $0x3E80  }
0x14: {  	[sflag:s12] =	ssyncset.done $0x0  }
0x15: {  	[sflag:s12] =	ssyncadd.s32 $0xFFFFC180  }
0x16: {  	[tilespmem:s13], [sflag:$0x3] =	stream.linear.gather [hbm4b:s6+s4], $0x3E80, $0x38;
	[tilespmem:$0x14780] =	vst v63  }
0x17: {  	_ =	swait.ge [sflag:s12], $0x3E80  }
0x18: {  	[sflag:s12] =	ssyncset.done $0x0  }
0x19: {  	[sflag:s12] =	ssyncadd.s32 $0xFFFFC180  }
0x1a: {  	[tilespmem:s15], [sflag:$0x1] =	stream.indirect.gather [hbm4b:s1+s14], $0x80, s4, s14, $0xb8;
	[tilespmem:$0x14780] =	vst v63  }
0x1b: {  	s23 =	simm.s32 $0x0  }
0x1c: {  	[tilespmem:s16], [sflag:$0x1] =	stream.indirect.gather [hbm4b:s2+s14], $0x80, s13, s14, $0xb8;
	[tilespmem:$0x14780] =	vst v63  }
.LBB2_2:
0x1d: {  	_ =	swait.ge [sflag:s17], $0x2800  }
0x1e: {  	[sflag:s17] =	ssyncset.done $0x0  }
0x1f: {  	[sflag:s17] =	ssyncadd.s32 $0xFFFFD800  }
0x20: {  	s26 =	smul.u32 $0x280, s23;
	_ =	swait.ge [sflag:s17], $0x2800  }
0x21: {  	s24 =	sshllo.u32 s23, $0x1;
	[sflag:s17] =	ssyncset.done $0x0  }
0x22: {  	s25 =	sshll.u32 s24, $0x7;
	s31 =	sshra.s32 s26, $0x2;
	[sflag:s17] =	ssyncadd.s32 $0xFFFFD800  }
0x23: {  	[tilespmem:s18], [sflag:$0x2] =	stream.indirect.gather [hbm4b:s1+s14], $0x80, s25, s14, $0xb8;
	[tilespmem:$0x14780] =	vst v63  }
0x24: {  	s26 =	sadd.s32 $0x12000, s31;
	s25 =	sadd.s32 $0x4000, s25  }
0x25: {  	[tilespmem:s19], [sflag:$0x2] =	stream.indirect.gather [hbm4b:s2+s14], $0x80, s25, s14, $0xb8;
	[tilespmem:$0x14780] =	vst v63  }
0x26: {  	v2 =	vmov s26;
	s26 =	simm.s32 $0x0;
	s25 =	simm.s32 $0x0  }
.LBB2_3:
0x27: {  	s28 =	sshll.u32 s26, $0x4  }
0x28: {  	v3 =	vmov s28  }
0x29: {  	v4 =	vadd.s32 s25, v0;
	v3 =	vshll.u32 v3, $0x7  }
0x2a: {  	s29 =	simm.s32 $0x1;
	v10 =	vor.u32 v1, v3;
	v3 =	vand.u32 $0x7F, v4  }
0x2b: {  	v4 =	vadd.s32 s29, v0;
	v3 =	vor.u32 v10, v3  }
0x2c: {  	s29 =	simm.s32 $0x2;
	v4 =	vand.u32 $0x7F, v4  }
0x2d: {  	v5 =	vadd.s32 s29, v0;
	v4 =	vor.u32 v10, v4  }
0x2e: {  	s29 =	simm.s32 $0x3;
	v5 =	vand.u32 $0x7F, v5  }
0x2f: {  	v6 =	vadd.s32 s29, v0;
	v7 =	vor.u32 v10, v5  }
0x30: {  	v5 =	vand.u32 $0x7F, v6;
	v14 =	vld.idx.msk [tilespmem:v3+s15+$0x0], $0xffff  }
0x31: {  	v9 =	vor.u32 v10, v5;
	v15 =	vld.idx.msk [tilespmem:v3+s16+$0x0], $0xffff  }
0x32: {  	s30 =	simm.s32 $0x7;
	v3 =	vld.idx.msk [tilespmem:v4+s15+$0x0], $0xffff  }
0x33: {  	s31 =	simm.s32 $0x5;
	v17 =	vimm.f32 $0.0e+00;
	v18 =	vimm.f32 $0.0e+00;
	v11 =	vadd.s32 s30, v0;
	s29 =	simm.s32 $0x4;
	v5 =	vld.idx.msk [tilespmem:v4+s16+$0x0], $0xffff  }
0x34: {  	v13 =	vadd.s32 s31, v0;
	v11 =	vand.u32 $0x7F, v11;
	v8 =	vadd.s32 s29, v0;
	s29 =	simm.s32 $0x6;
	v4 =	vld.idx.msk [tilespmem:v7+s15+$0x0], $0xffff  }
0x35: {  	v19 =	vand.u32 $0x7F, v13;
	v12 =	vadd.s32 s29, v0;
	v8 =	vand.u32 $0x7F, v8;
	v7 =	vld.idx.msk [tilespmem:v7+s16+$0x0], $0xffff  }
0x36: {  	v11 =	vor.u32 v10, v11;
	v16 =	vor.u32 v10, v8;
	v12 =	vand.u32 $0x7F, v12;
	v8 =	vld.idx.msk [tilespmem:v9+s15+$0x0], $0xffff  }
0x37: {  	v6 =	vimm.f32 $0.0e+00;
	s29 =	simm.s32 $0x8;
	v13 =	vor.u32 v10, v12;
	v9 =	vld.idx.msk [tilespmem:v9+s16+$0x0], $0xffff;
	v12 =	vmul.f32 v15, v14  }
.LBB2_4:
0x38: {  	p0 =	slt.u32 s29, $0x7C;
	v19 =	vor.u32 v10, v19;
	v14 =	vmul.f32 v14, v14;
	v15 =	vmul.f32 v15, v15  }
0x39: {  	v6 =	vadd.f32 v12, v6;
	v12 =	vmul.f32 v5, v3;
	v3 =	vmul.f32 v3, v3  }
0x3a: {  	v5 =	vmul.f32 v5, v5;
	v17 =	vadd.f32 v14, v17;
	v15 =	vadd.f32 v15, v18  }
0x3b: {  	v6 =	vadd.f32 v12, v6;
	v12 =	vmul.f32 v7, v4;
	v4 =	vmul.f32 v4, v4  }
0x3c: {  	v7 =	vmul.f32 v7, v7;
	v14 =	vld.idx.msk [tilespmem:v16+s15+$0x0], $0xffff;
	v17 =	vadd.f32 v3, v17;
	v5 =	vadd.f32 v5, v15  }
0x3d: {  	v15 =	vld.idx.msk [tilespmem:v16+s16+$0x0], $0xffff;
	v6 =	vadd.f32 v12, v6;
	v12 =	vmul.f32 v9, v8;
	v8 =	vmul.f32 v8, v8  }
0x3e: {  	s30 =	sadd.s32 $0x3, s29;
	v9 =	vmul.f32 v9, v9;
	v3 =	vld.idx.msk [tilespmem:v19+s15+$0x0], $0xffff;
	v16 =	vadd.f32 v4, v17;
	v7 =	vadd.f32 v7, v5  }
.Ltmp0:
0x3f: {  	v20 =	vadd.s32 s29, v0;
	s31 =	sadd.s32 $0x2, s29;
	v21 =	vadd.s32 s30, v0;
	v5 =	vld.idx.msk [tilespmem:v19+s16+$0x0], $0xffff;
	v6 =	vadd.f32 v12, v6;
	(pc) =	sbr.rel @p0 .LBB2_4-.Ltmp0, $4  }
0x40: {  	s30 =	sadd.s32 $0x1, s29;
	v12 =	vadd.s32 s31, v0;
	v4 =	vld.idx.msk [tilespmem:v13+s15+$0x0], $0xffff;
	v17 =	vadd.f32 v8, v16;
	v18 =	vadd.f32 v9, v7  }
0x41: {  	v8 =	vand.u32 $0x7F, v20;
	v9 =	vadd.s32 s30, v0;
	v20 =	vand.u32 $0x7F, v21;
	v7 =	vld.idx.msk [tilespmem:v13+s16+$0x0], $0xffff  }
0x42: {  	v16 =	vor.u32 v10, v8;
	v19 =	vand.u32 $0x7F, v9;
	v9 =	vand.u32 $0x7F, v12;
	v8 =	vld.idx.msk [tilespmem:v11+s15+$0x0], $0xffff  }
0x43: {  	s29 =	sadd.s32 $0x4, s29;
	v13 =	vor.u32 v10, v9;
	v12 =	vmul.f32 v15, v14;
	v9 =	vld.idx.msk [tilespmem:v11+s16+$0x0], $0xffff;
	v11 =	vor.u32 v10, v20  }
0x44: {  	_ = 	snop  }
0x45: {  	v10 =	vor.u32 v10, v19;
	v14 =	vmul.f32 v14, v14  }
0x46: {  	v15 =	vmul.f32 v15, v15  }
0x47: {  	v32 =	vmul.f32 v3, v3;
	v14 =	vadd.f32 v14, v17  }
0x48: {  	v33 =	vmul.f32 v5, v5;
	v34 =	vld.idx.msk [tilespmem:v16+s15+$0x0], $0xffff;
	v15 =	vadd.f32 v15, v18  }
0x49: {  	v35 =	vld.idx.msk [tilespmem:v16+s16+$0x0], $0xffff;
	v20 =	vmul.f32 v4, v4;
	v14 =	vadd.f32 v32, v14  }
0x4a: {  	v36 =	vmul.f32 v7, v7;
	v15 =	vadd.f32 v33, v15;
	v37 =	vld.idx.msk [tilespmem:v10+s15+$0x0], $0xffff  }
0x4b: {  	v21 =	vmul.f32 v8, v8;
	v10 =	vld.idx.msk [tilespmem:v10+s16+$0x0], $0xffff;
	v14 =	vadd.f32 v20, v14  }
0x4c: {  	v39 =	vld.idx.msk [tilespmem:v13+s15+$0x0], $0xffff;
	v38 =	vmul.f32 v9, v9;
	v15 =	vadd.f32 v36, v15  }
0x4d: {  	v40 =	vld.idx.msk [tilespmem:v13+s16+$0x0], $0xffff;
	v41 =	vmul.f32 v34, v34;
	v14 =	vadd.f32 v21, v14  }
0x4e: {  	v42 =	vld.idx.msk [tilespmem:v11+s15+$0x0], $0xffff;
	v22 =	vmul.f32 v35, v35;
	v15 =	vadd.f32 v38, v15  }
0x4f: {  	v43 =	vld.idx.msk [tilespmem:v11+s16+$0x0], $0xffff;
	v23 =	vmul.f32 v37, v37;
	v14 =	vadd.f32 v41, v14  }
0x50: {  	v15 =	vadd.f32 v22, v15;
	v44 =	vmul.f32 v10, v10  }
0x51: {  	v45 =	vmul.f32 v39, v39;
	v14 =	vadd.f32 v23, v14  }
0x52: {  	v46 =	vmul.f32 v40, v40;
	v15 =	vadd.f32 v44, v15  }
0x53: {  	v47 =	vmul.f32 v42, v42;
	v14 =	vadd.f32 v45, v14  }
0x54: {  	v48 =	vmul.f32 v43, v43;
	v15 =	vadd.f32 v46, v15  }
0x55: {  	v14 =	vadd.f32 v47, v14  }
0x56: {  	v15 =	vadd.f32 v48, v15  }
0x57: {  	v14 =	vmax.f32 v14, $1.000000020e-35  }
0x58: {  	v15 =	vmax.f32 v15, $1.000000020e-35;
	v49 =	vshra.s32 v14, $0x1  }
0x59: {  	v50 =	vmul.f32 $5.000000000e-01, v14;
	v51 =	vshra.s32 v15, $0x1;
	v24 =	vmul.f32 $5.000000000e-01, v15  }
0x5a: {  	v21 =	vsub.s32 $0x5F3759DF, v49;
	v23 =	vsub.s32 $0x5F3759DF, v51  }
0x5b: {  	v25 =	vmul.f32 v21, v50;
	v26 =	vmul.f32 v23, v24;
	_ =	sdelay $0x1  }
0x5c: {  	v25 =	vmul.f32 v21, v25;
	v26 =	vmul.f32 v23, v26;
	_ =	sdelay $0x1  }
0x5d: {  	v25 =	vsub.f32 $1.500000000e+00, v25;
	v26 =	vsub.f32 $1.500000000e+00, v26;
	_ =	sdelay $0x1  }
0x5e: {  	v21 =	vmul.f32 v21, v25;
	v23 =	vmul.f32 v23, v26;
	_ =	sdelay $0x1  }
0x5f: {  	v25 =	vmul.f32 v21, v50;
	v26 =	vmul.f32 v23, v24;
	_ =	sdelay $0x1  }
0x60: {  	v25 =	vmul.f32 v25, v21;
	v26 =	vmul.f32 v26, v23;
	_ =	sdelay $0x1  }
0x61: {  	v25 =	vsub.f32 $1.500000000e+00, v25;
	v26 =	vsub.f32 $1.500000000e+00, v26;
	_ =	sdelay $0x1  }
0x62: {  	v21 =	vmul.f32 v25, v21;
	v23 =	vmul.f32 v26, v23;
	_ =	sdelay $0x1  }
0x63: {  	v22 =	vmul.f32 v21, v50;
	v24 =	vmul.f32 v23, v24;
	_ =	sdelay $0x1  }
0x64: {  	v22 =	vmul.f32 v22, v21;
	v24 =	vmul.f32 v24, v23;
	_ =	sdelay $0x1  }
0x65: {  	v22 =	vsub.f32 $1.500000000e+00, v22;
	v24 =	vsub.f32 $1.500000000e+00, v24;
	_ =	sdelay $0x1  }
0x66: {  	v21 =	vmul.f32 v22, v21;
	v52 =	vmul.f32 v24, v23  }
0x67: {  	v3 =	vmul.f32 v5, v3  }
0x68: {  	v53 =	vadd.f32 v12, v6;
	v54 =	vmul.f32 v21, v14;
	v55 =	vmul.f32 v52, v15;
	_ =	sdelay $0x1  }
0x69: {  	v56 =	vmul.f32 v7, v4;
	v3 =	vadd.f32 v3, v53;
	v57 =	vmul.f32 v55, v54;
	_ =	sdelay $0x1  }
0x6a: {  	v58 =	vmul.f32 v9, v8;
	v3 =	vadd.f32 v56, v3;
	v5 =	vadd.f32 $9.999999930e-09, v57;
	_ =	sdelay $0x1  }
0x6b: {  	v59 =	vmul.f32 v35, v34;
	v3 =	vadd.f32 v58, v3;
	(erf) = vrcp.f32 v5;
	_ =	sdelay $0x1  }
0x6c: {  	v3 =	vadd.f32 v59, v3;
	v60 =	vmul.f32 v10, v37;
	_ =	sdelay $0x1  }
0x6d: {  	v61 =	vmul.f32 v40, v39;
	v3 =	vadd.f32 v60, v3;
	_ =	sdelay $0x1  }
0x6e: {  	s26 =	sadd.s32 $0x1, s26;
	v62 =	vmul.f32 v43, v42;
	v3 =	vadd.f32 v61, v3  }
0x6f: {  	p0 =	sne.s32 s26, $0x5  }
.Ltmp1:
0x70: {  	v3 =	vadd.f32 v62, v3;
	(pc) =	sbr.rel @p0 .LBB2_3-.Ltmp1, $3  }
0x71: {  	v63 =	vpop (erf)  }
0x72: {  	v3 =	vmul.f32 v63, v3;
	_ =	sdelay $0x1  }
0x73: {  	[tilespmem:v2+s28+$0x0 ss:$0x1] =	vst.idx.msk $0xffff, v3  }
0x74: {  	_ =	swait.ge [sflag:s20], $0x2800  }
0x75: {  	[sflag:s20] =	ssyncset.done $0x0  }
0x76: {  	[sflag:s20] =	ssyncadd.s32 $0xFFFFD800  }
0x77: {  	s24 =	smul.u32 $0x140, s24;
	_ =	swait.ge [sflag:s20], $0x2800  }
0x78: {  	s25 =	sshll.u32 s23, $0x8;
	[sflag:s20] =	ssyncset.done $0x0  }
0x79: {  	s26 =	sadd.s32 $0x100, s25;
	s24 =	sshra.s32 s24, $0x2;
	[sflag:s20] =	ssyncadd.s32 $0xFFFFD800  }
0x7a: {  	[tilespmem:s15], [sflag:$0x1] =	stream.indirect.gather [hbm4b:s1+s14], $0x80, s26, s14, $0xb8;
	[tilespmem:$0x14780] =	vst v63  }
0x7b: {  	s25 =	sadd.s32 $0x4100, s25;
	s31 =	sadd.s32 $0x12000, s24  }
0x7c: {  	[tilespmem:s16], [sflag:$0x1] =	stream.indirect.gather [hbm4b:s2+s14], $0x80, s25, s14, $0xb8;
	[tilespmem:$0x14780] =	vst v63  }
0x7d: {  	s24 =	simm.s32 $0x0;
	v2 =	vmov s31;
	s25 =	simm.s32 $0x0  }
.LBB2_7:
0x7e: {  	s26 =	sshll.u32 s25, $0x4  }
0x7f: {  	v3 =	vmov s26  }
0x80: {  	v4 =	vadd.s32 s24, v0;
	v3 =	vshll.u32 v3, $0x7  }
0x81: {  	s28 =	simm.s32 $0x1;
	v10 =	vor.u32 v1, v3;
	v3 =	vand.u32 $0x7F, v4  }
0x82: {  	v4 =	vadd.s32 s28, v0;
	v3 =	vor.u32 v10, v3  }
0x83: {  	s28 =	simm.s32 $0x2;
	v4 =	vand.u32 $0x7F, v4  }
0x84: {  	v5 =	vadd.s32 s28, v0;
	v4 =	vor.u32 v10, v4  }
0x85: {  	s28 =	simm.s32 $0x3;
	v5 =	vand.u32 $0x7F, v5  }
0x86: {  	v6 =	vadd.s32 s28, v0;
	v7 =	vor.u32 v10, v5  }
0x87: {  	v5 =	vand.u32 $0x7F, v6;
	v14 =	vld.idx.msk [tilespmem:v3+s18+$0x0], $0xffff  }
0x88: {  	v9 =	vor.u32 v10, v5;
	v15 =	vld.idx.msk [tilespmem:v3+s19+$0x0], $0xffff  }
0x89: {  	s29 =	simm.s32 $0x7;
	v3 =	vld.idx.msk [tilespmem:v4+s18+$0x0], $0xffff  }
0x8a: {  	s31 =	simm.s32 $0x5;
	v17 =	vimm.f32 $0.0e+00;
	v18 =	vimm.f32 $0.0e+00;
	v11 =	vadd.s32 s29, v0;
	s28 =	simm.s32 $0x4;
	v5 =	vld.idx.msk [tilespmem:v4+s19+$0x0], $0xffff  }
0x8b: {  	v13 =	vadd.s32 s31, v0;
	v11 =	vand.u32 $0x7F, v11;
	v8 =	vadd.s32 s28, v0;
	s28 =	simm.s32 $0x6;
	v4 =	vld.idx.msk [tilespmem:v7+s18+$0x0], $0xffff  }
0x8c: {  	v19 =	vand.u32 $0x7F, v13;
	v12 =	vadd.s32 s28, v0;
	v8 =	vand.u32 $0x7F, v8;
	v7 =	vld.idx.msk [tilespmem:v7+s19+$0x0], $0xffff  }
0x8d: {  	v11 =	vor.u32 v10, v11;
	v16 =	vor.u32 v10, v8;
	v12 =	vand.u32 $0x7F, v12;
	v8 =	vld.idx.msk [tilespmem:v9+s18+$0x0], $0xffff  }
0x8e: {  	v6 =	vimm.f32 $0.0e+00;
	s28 =	simm.s32 $0x8;
	v13 =	vor.u32 v10, v12;
	v9 =	vld.idx.msk [tilespmem:v9+s19+$0x0], $0xffff;
	v12 =	vmul.f32 v15, v14  }
.LBB2_8:
0x8f: {  	p0 =	slt.u32 s28, $0x7C;
	v19 =	vor.u32 v10, v19;
	v14 =	vmul.f32 v14, v14;
	v15 =	vmul.f32 v15, v15  }
0x90: {  	v6 =	vadd.f32 v12, v6;
	v12 =	vmul.f32 v5, v3;
	v3 =	vmul.f32 v3, v3  }
0x91: {  	v5 =	vmul.f32 v5, v5;
	v17 =	vadd.f32 v14, v17;
	v15 =	vadd.f32 v15, v18  }
0x92: {  	v6 =	vadd.f32 v12, v6;
	v12 =	vmul.f32 v7, v4;
	v4 =	vmul.f32 v4, v4  }
0x93: {  	v7 =	vmul.f32 v7, v7;
	v14 =	vld.idx.msk [tilespmem:v16+s18+$0x0], $0xffff;
	v17 =	vadd.f32 v3, v17;
	v5 =	vadd.f32 v5, v15  }
0x94: {  	v15 =	vld.idx.msk [tilespmem:v16+s19+$0x0], $0xffff;
	v6 =	vadd.f32 v12, v6;
	v12 =	vmul.f32 v9, v8;
	v8 =	vmul.f32 v8, v8  }
0x95: {  	s29 =	sadd.s32 $0x3, s28;
	v9 =	vmul.f32 v9, v9;
	v3 =	vld.idx.msk [tilespmem:v19+s18+$0x0], $0xffff;
	v16 =	vadd.f32 v4, v17;
	v7 =	vadd.f32 v7, v5  }
.Ltmp2:
0x96: {  	v20 =	vadd.s32 s28, v0;
	s30 =	sadd.s32 $0x2, s28;
	v21 =	vadd.s32 s29, v0;
	v5 =	vld.idx.msk [tilespmem:v19+s19+$0x0], $0xffff;
	v6 =	vadd.f32 v12, v6;
	(pc) =	sbr.rel @p0 .LBB2_8-.Ltmp2, $4  }
0x97: {  	s29 =	sadd.s32 $0x1, s28;
	v12 =	vadd.s32 s30, v0;
	v4 =	vld.idx.msk [tilespmem:v13+s18+$0x0], $0xffff;
	v17 =	vadd.f32 v8, v16;
	v18 =	vadd.f32 v9, v7  }
0x98: {  	v8 =	vand.u32 $0x7F, v20;
	v9 =	vadd.s32 s29, v0;
	v20 =	vand.u32 $0x7F, v21;
	v7 =	vld.idx.msk [tilespmem:v13+s19+$0x0], $0xffff  }
0x99: {  	v16 =	vor.u32 v10, v8;
	v19 =	vand.u32 $0x7F, v9;
	v9 =	vand.u32 $0x7F, v12;
	v8 =	vld.idx.msk [tilespmem:v11+s18+$0x0], $0xffff  }
0x9a: {  	s28 =	sadd.s32 $0x4, s28;
	v13 =	vor.u32 v10, v9;
	v12 =	vmul.f32 v15, v14;
	v9 =	vld.idx.msk [tilespmem:v11+s19+$0x0], $0xffff;
	v11 =	vor.u32 v10, v20  }
0x9b: {  	_ = 	snop  }
0x9c: {  	v10 =	vor.u32 v10, v19;
	v14 =	vmul.f32 v14, v14  }
0x9d: {  	v15 =	vmul.f32 v15, v15  }
0x9e: {  	v32 =	vmul.f32 v3, v3;
	v14 =	vadd.f32 v14, v17  }
0x9f: {  	v33 =	vmul.f32 v5, v5;
	v34 =	vld.idx.msk [tilespmem:v16+s18+$0x0], $0xffff;
	v15 =	vadd.f32 v15, v18  }
0xa0: {  	v35 =	vld.idx.msk [tilespmem:v16+s19+$0x0], $0xffff;
	v20 =	vmul.f32 v4, v4;
	v14 =	vadd.f32 v32, v14  }
0xa1: {  	v36 =	vmul.f32 v7, v7;
	v15 =	vadd.f32 v33, v15;
	v37 =	vld.idx.msk [tilespmem:v10+s18+$0x0], $0xffff  }
0xa2: {  	v21 =	vmul.f32 v8, v8;
	v10 =	vld.idx.msk [tilespmem:v10+s19+$0x0], $0xffff;
	v14 =	vadd.f32 v20, v14  }
0xa3: {  	v39 =	vld.idx.msk [tilespmem:v13+s18+$0x0], $0xffff;
	v38 =	vmul.f32 v9, v9;
	v15 =	vadd.f32 v36, v15  }
0xa4: {  	v40 =	vld.idx.msk [tilespmem:v13+s19+$0x0], $0xffff;
	v41 =	vmul.f32 v34, v34;
	v14 =	vadd.f32 v21, v14  }
0xa5: {  	v42 =	vld.idx.msk [tilespmem:v11+s18+$0x0], $0xffff;
	v22 =	vmul.f32 v35, v35;
	v15 =	vadd.f32 v38, v15  }
0xa6: {  	v43 =	vld.idx.msk [tilespmem:v11+s19+$0x0], $0xffff;
	v23 =	vmul.f32 v37, v37;
	v14 =	vadd.f32 v41, v14  }
0xa7: {  	v15 =	vadd.f32 v22, v15;
	v44 =	vmul.f32 v10, v10  }
0xa8: {  	v45 =	vmul.f32 v39, v39;
	v14 =	vadd.f32 v23, v14  }
0xa9: {  	v46 =	vmul.f32 v40, v40;
	v15 =	vadd.f32 v44, v15  }
0xaa: {  	v47 =	vmul.f32 v42, v42;
	v14 =	vadd.f32 v45, v14  }
0xab: {  	v48 =	vmul.f32 v43, v43;
	v15 =	vadd.f32 v46, v15  }
0xac: {  	v14 =	vadd.f32 v47, v14  }
0xad: {  	v15 =	vadd.f32 v48, v15  }
0xae: {  	v14 =	vmax.f32 v14, $1.000000020e-35  }
0xaf: {  	v15 =	vmax.f32 v15, $1.000000020e-35;
	v49 =	vshra.s32 v14, $0x1  }
0xb0: {  	v50 =	vmul.f32 $5.000000000e-01, v14;
	v51 =	vshra.s32 v15, $0x1;
	v24 =	vmul.f32 $5.000000000e-01, v15  }
0xb1: {  	v21 =	vsub.s32 $0x5F3759DF, v49;
	v23 =	vsub.s32 $0x5F3759DF, v51  }
0xb2: {  	v25 =	vmul.f32 v21, v50;
	v26 =	vmul.f32 v23, v24;
	_ =	sdelay $0x1  }
0xb3: {  	v25 =	vmul.f32 v21, v25;
	v26 =	vmul.f32 v23, v26;
	_ =	sdelay $0x1  }
0xb4: {  	v25 =	vsub.f32 $1.500000000e+00, v25;
	v26 =	vsub.f32 $1.500000000e+00, v26;
	_ =	sdelay $0x1  }
0xb5: {  	v21 =	vmul.f32 v21, v25;
	v23 =	vmul.f32 v23, v26;
	_ =	sdelay $0x1  }
0xb6: {  	v25 =	vmul.f32 v21, v50;
	v26 =	vmul.f32 v23, v24;
	_ =	sdelay $0x1  }
0xb7: {  	v25 =	vmul.f32 v25, v21;
	v26 =	vmul.f32 v26, v23;
	_ =	sdelay $0x1  }
0xb8: {  	v25 =	vsub.f32 $1.500000000e+00, v25;
	v26 =	vsub.f32 $1.500000000e+00, v26;
	_ =	sdelay $0x1  }
0xb9: {  	v21 =	vmul.f32 v25, v21;
	v23 =	vmul.f32 v26, v23;
	_ =	sdelay $0x1  }
0xba: {  	v22 =	vmul.f32 v21, v50;
	v24 =	vmul.f32 v23, v24;
	_ =	sdelay $0x1  }
0xbb: {  	v22 =	vmul.f32 v22, v21;
	v24 =	vmul.f32 v24, v23;
	_ =	sdelay $0x1  }
0xbc: {  	v22 =	vsub.f32 $1.500000000e+00, v22;
	v24 =	vsub.f32 $1.500000000e+00, v24;
	_ =	sdelay $0x1  }
0xbd: {  	v21 =	vmul.f32 v22, v21;
	v52 =	vmul.f32 v24, v23  }
0xbe: {  	v3 =	vmul.f32 v5, v3  }
0xbf: {  	v53 =	vadd.f32 v12, v6;
	v54 =	vmul.f32 v21, v14;
	v55 =	vmul.f32 v52, v15;
	_ =	sdelay $0x1  }
0xc0: {  	v56 =	vmul.f32 v7, v4;
	v3 =	vadd.f32 v3, v53;
	v57 =	vmul.f32 v55, v54;
	_ =	sdelay $0x1  }
0xc1: {  	v58 =	vmul.f32 v9, v8;
	v3 =	vadd.f32 v56, v3;
	v5 =	vadd.f32 $9.999999930e-09, v57;
	_ =	sdelay $0x1  }
0xc2: {  	v59 =	vmul.f32 v35, v34;
	v3 =	vadd.f32 v58, v3;
	(erf) = vrcp.f32 v5;
	_ =	sdelay $0x1  }
0xc3: {  	v3 =	vadd.f32 v59, v3;
	v60 =	vmul.f32 v10, v37;
	_ =	sdelay $0x1  }
0xc4: {  	v61 =	vmul.f32 v40, v39;
	v3 =	vadd.f32 v60, v3;
	_ =	sdelay $0x1  }
0xc5: {  	s25 =	sadd.s32 $0x1, s25;
	v62 =	vmul.f32 v43, v42;
	v3 =	vadd.f32 v61, v3  }
0xc6: {  	p0 =	sne.s32 s25, $0x5  }
.Ltmp3:
0xc7: {  	v3 =	vadd.f32 v62, v3;
	(pc) =	sbr.rel @p0 .LBB2_7-.Ltmp3, $3  }
0xc8: {  	v63 =	vpop (erf)  }
0xc9: {  	v3 =	vmul.f32 v63, v3;
	_ =	sdelay $0x1  }
0xca: {  	[tilespmem:v2+s26+$0x0 ss:$0x1] =	vst.idx.msk $0xffff, v3  }
0xcb: {  	s23 =	sadd.s32 $0x1, s23  }
0xcc: {  	p0 =	sne.s32 s23, $0x3E  }
.Ltmp4:
0xcd: {  	_ = 	snop;
	(pc) =	sbr.rel @p0 .LBB2_2-.Ltmp4, $1  }
0xce: {  	_ =	sdelay $0x3  }
0xcf: {  	_ =	swait.ge [sflag:s17], $0x2800  }
0xd0: {  	[sflag:s17] =	ssyncset.done $0x0  }
0xd1: {  	[sflag:s17] =	ssyncadd.s32 $0xFFFFD800  }
0xd2: {  	_ =	swait.ge [sflag:s17], $0x2800  }
0xd3: {  	[sflag:s17] =	ssyncset.done $0x0  }
0xd4: {  	s23 =	simm.s32 $0x0;
	s24 =	simm.s32 $0x0;
	[sflag:s17] =	ssyncadd.s32 $0xFFFFD800  }
.LBB2_12:
0xd5: {  	s25 =	sshll.u32 s24, $0x4  }
0xd6: {  	v2 =	vmov s25  }
0xd7: {  	v3 =	vadd.s32 s23, v0;
	v2 =	vshll.u32 v2, $0x7  }
0xd8: {  	s26 =	simm.s32 $0x1;
	v9 =	vor.u32 v1, v2;
	v2 =	vand.u32 $0x7F, v3  }
0xd9: {  	v3 =	vadd.s32 s26, v0;
	v2 =	vor.u32 v9, v2  }
0xda: {  	s31 =	simm.s32 $0x2;
	v3 =	vand.u32 $0x7F, v3  }
0xdb: {  	v4 =	vadd.s32 s31, v0;
	v3 =	vor.u32 v9, v3  }
0xdc: {  	s28 =	simm.s32 $0x3;
	v4 =	vand.u32 $0x7F, v4  }
0xdd: {  	v5 =	vadd.s32 s28, v0;
	v6 =	vor.u32 v9, v4  }
0xde: {  	v4 =	vand.u32 $0x7F, v5;
	v13 =	vld.idx.msk [tilespmem:v2+s15+$0x0], $0xffff  }
0xdf: {  	v8 =	vor.u32 v9, v4;
	v14 =	vld.idx.msk [tilespmem:v2+s16+$0x0], $0xffff  }
0xe0: {  	s29 =	simm.s32 $0x4;
	v2 =	vld.idx.msk [tilespmem:v3+s15+$0x0], $0xffff  }
0xe1: {  	s30 =	simm.s32 $0x6;
	v16 =	vimm.f32 $0.0e+00;
	v17 =	vimm.f32 $0.0e+00;
	s28 =	simm.s32 $0x7;
	v7 =	vadd.s32 s29, v0;
	v4 =	vld.idx.msk [tilespmem:v3+s16+$0x0], $0xffff  }
0xe2: {  	s31 =	simm.s32 $0x5;
	v11 =	vadd.s32 s30, v0;
	v10 =	vadd.s32 s28, v0;
	v7 =	vand.u32 $0x7F, v7;
	v3 =	vld.idx.msk [tilespmem:v6+s15+$0x0], $0xffff  }
0xe3: {  	v12 =	vadd.s32 s31, v0;
	v11 =	vand.u32 $0x7F, v11;
	v10 =	vand.u32 $0x7F, v10;
	v6 =	vld.idx.msk [tilespmem:v6+s16+$0x0], $0xffff  }
0xe4: {  	v18 =	vand.u32 $0x7F, v12;
	v5 =	vimm.f32 $0.0e+00;
	v15 =	vor.u32 v9, v7;
	v7 =	vld.idx.msk [tilespmem:v8+s15+$0x0], $0xffff  }
0xe5: {  	s26 =	simm.s32 $0x8;
	v12 =	vor.u32 v9, v11;
	v10 =	vor.u32 v9, v10;
	v8 =	vld.idx.msk [tilespmem:v8+s16+$0x0], $0xffff;
	v11 =	vmul.f32 v14, v13  }
.LBB2_13:
0xe6: {  	p0 =	slt.u32 s26, $0x7C;
	v18 =	vor.u32 v9, v18;
	v13 =	vmul.f32 v13, v13;
	v14 =	vmul.f32 v14, v14  }
0xe7: {  	v5 =	vadd.f32 v11, v5;
	v11 =	vmul.f32 v4, v2;
	v2 =	vmul.f32 v2, v2  }
0xe8: {  	v4 =	vmul.f32 v4, v4;
	v16 =	vadd.f32 v13, v16;
	v14 =	vadd.f32 v14, v17  }
0xe9: {  	v5 =	vadd.f32 v11, v5;
	v11 =	vmul.f32 v6, v3;
	v3 =	vmul.f32 v3, v3  }
0xea: {  	v6 =	vmul.f32 v6, v6;
	v13 =	vld.idx.msk [tilespmem:v15+s15+$0x0], $0xffff;
	v16 =	vadd.f32 v2, v16;
	v4 =	vadd.f32 v4, v14  }
0xeb: {  	v14 =	vld.idx.msk [tilespmem:v15+s16+$0x0], $0xffff;
	v5 =	vadd.f32 v11, v5;
	v11 =	vmul.f32 v8, v7;
	v7 =	vmul.f32 v7, v7  }
0xec: {  	s28 =	sadd.s32 $0x3, s26;
	v8 =	vmul.f32 v8, v8;
	v2 =	vld.idx.msk [tilespmem:v18+s15+$0x0], $0xffff;
	v15 =	vadd.f32 v3, v16;
	v6 =	vadd.f32 v6, v4  }
.Ltmp5:
0xed: {  	v19 =	vadd.s32 s26, v0;
	s29 =	sadd.s32 $0x2, s26;
	v20 =	vadd.s32 s28, v0;
	v4 =	vld.idx.msk [tilespmem:v18+s16+$0x0], $0xffff;
	v5 =	vadd.f32 v11, v5;
	(pc) =	sbr.rel @p0 .LBB2_13-.Ltmp5, $4  }
0xee: {  	s28 =	sadd.s32 $0x1, s26;
	v11 =	vadd.s32 s29, v0;
	v3 =	vld.idx.msk [tilespmem:v12+s15+$0x0], $0xffff;
	v16 =	vadd.f32 v7, v15;
	v17 =	vadd.f32 v8, v6  }
0xef: {  	v7 =	vand.u32 $0x7F, v19;
	v8 =	vadd.s32 s28, v0;
	v19 =	vand.u32 $0x7F, v20;
	v6 =	vld.idx.msk [tilespmem:v12+s16+$0x0], $0xffff  }
0xf0: {  	v15 =	vor.u32 v9, v7;
	v18 =	vand.u32 $0x7F, v8;
	v8 =	vand.u32 $0x7F, v11;
	v7 =	vld.idx.msk [tilespmem:v10+s15+$0x0], $0xffff  }
0xf1: {  	s26 =	sadd.s32 $0x4, s26;
	v12 =	vor.u32 v9, v8;
	v11 =	vmul.f32 v14, v13;
	v8 =	vld.idx.msk [tilespmem:v10+s16+$0x0], $0xffff;
	v10 =	vor.u32 v9, v19  }
0xf2: {  	_ = 	snop  }
0xf3: {  	v9 =	vor.u32 v9, v18;
	v13 =	vmul.f32 v13, v13  }
0xf4: {  	v14 =	vmul.f32 v14, v14  }
0xf5: {  	v39 =	vmul.f32 v2, v2;
	v13 =	vadd.f32 v13, v16  }
0xf6: {  	v40 =	vmul.f32 v4, v4;
	v41 =	vld.idx.msk [tilespmem:v15+s15+$0x0], $0xffff;
	v14 =	vadd.f32 v14, v17  }
0xf7: {  	v42 =	vld.idx.msk [tilespmem:v15+s16+$0x0], $0xffff;
	v19 =	vmul.f32 v3, v3;
	v13 =	vadd.f32 v39, v13  }
0xf8: {  	v43 =	vmul.f32 v6, v6;
	v14 =	vadd.f32 v40, v14;
	v44 =	vld.idx.msk [tilespmem:v9+s15+$0x0], $0xffff  }
0xf9: {  	v20 =	vmul.f32 v7, v7;
	v9 =	vld.idx.msk [tilespmem:v9+s16+$0x0], $0xffff;
	v13 =	vadd.f32 v19, v13  }
0xfa: {  	v46 =	vld.idx.msk [tilespmem:v12+s15+$0x0], $0xffff;
	v45 =	vmul.f32 v8, v8;
	v14 =	vadd.f32 v43, v14  }
0xfb: {  	v47 =	vld.idx.msk [tilespmem:v12+s16+$0x0], $0xffff;
	v48 =	vmul.f32 v41, v41;
	v13 =	vadd.f32 v20, v13  }
0xfc: {  	v49 =	vld.idx.msk [tilespmem:v10+s15+$0x0], $0xffff;
	v21 =	vmul.f32 v42, v42;
	v14 =	vadd.f32 v45, v14  }
0xfd: {  	v50 =	vld.idx.msk [tilespmem:v10+s16+$0x0], $0xffff;
	v22 =	vmul.f32 v44, v44;
	v13 =	vadd.f32 v48, v13  }
0xfe: {  	v14 =	vadd.f32 v21, v14;
	v51 =	vmul.f32 v9, v9  }
0xff: {  	v52 =	vmul.f32 v46, v46;
	v13 =	vadd.f32 v22, v13  }
0x100: {  	v53 =	vmul.f32 v47, v47;
	v14 =	vadd.f32 v51, v14  }
0x101: {  	v54 =	vmul.f32 v49, v49;
	v13 =	vadd.f32 v52, v13  }
0x102: {  	v55 =	vmul.f32 v50, v50;
	v14 =	vadd.f32 v53, v14  }
0x103: {  	v13 =	vadd.f32 v54, v13  }
0x104: {  	v14 =	vadd.f32 v55, v14  }
0x105: {  	v13 =	vmax.f32 v13, $1.000000020e-35  }
0x106: {  	v14 =	vmax.f32 v14, $1.000000020e-35;
	v56 =	vshra.s32 v13, $0x1  }
0x107: {  	v57 =	vmul.f32 $5.000000000e-01, v13;
	v58 =	vshra.s32 v14, $0x1;
	v23 =	vmul.f32 $5.000000000e-01, v14  }
0x108: {  	v20 =	vsub.s32 $0x5F3759DF, v56;
	v22 =	vsub.s32 $0x5F3759DF, v58  }
0x109: {  	v24 =	vmul.f32 v20, v57;
	v25 =	vmul.f32 v22, v23;
	_ =	sdelay $0x1  }
0x10a: {  	v24 =	vmul.f32 v20, v24;
	v25 =	vmul.f32 v22, v25;
	_ =	sdelay $0x1  }
0x10b: {  	v24 =	vsub.f32 $1.500000000e+00, v24;
	v25 =	vsub.f32 $1.500000000e+00, v25;
	_ =	sdelay $0x1  }
0x10c: {  	v20 =	vmul.f32 v20, v24;
	v22 =	vmul.f32 v22, v25;
	_ =	sdelay $0x1  }
0x10d: {  	v24 =	vmul.f32 v20, v57;
	v25 =	vmul.f32 v22, v23;
	_ =	sdelay $0x1  }
0x10e: {  	v24 =	vmul.f32 v24, v20;
	v25 =	vmul.f32 v25, v22;
	_ =	sdelay $0x1  }
0x10f: {  	v24 =	vsub.f32 $1.500000000e+00, v24;
	v25 =	vsub.f32 $1.500000000e+00, v25;
	_ =	sdelay $0x1  }
0x110: {  	v20 =	vmul.f32 v24, v20;
	v22 =	vmul.f32 v25, v22;
	_ =	sdelay $0x1  }
0x111: {  	v21 =	vmul.f32 v20, v57;
	v23 =	vmul.f32 v22, v23;
	_ =	sdelay $0x1  }
0x112: {  	v21 =	vmul.f32 v21, v20;
	v23 =	vmul.f32 v23, v22;
	_ =	sdelay $0x1  }
0x113: {  	v21 =	vsub.f32 $1.500000000e+00, v21;
	v23 =	vsub.f32 $1.500000000e+00, v23;
	_ =	sdelay $0x1  }
0x114: {  	v20 =	vmul.f32 v21, v20;
	v59 =	vmul.f32 v23, v22  }
0x115: {  	v2 =	vmul.f32 v4, v2;
	v60 =	vadd.f32 v11, v5  }
0x116: {  	v61 =	vmul.f32 v20, v13;
	v62 =	vmul.f32 v59, v14  }
0x117: {  	v3 =	vmul.f32 v6, v3;
	v2 =	vadd.f32 v2, v60  }
0x118: {  	v63 =	vmul.f32 v62, v61  }
0x119: {  	v2 =	vadd.f32 v3, v2;
	v3 =	vmul.f32 v8, v7  }
0x11a: {  	v4 =	vadd.f32 $9.999999930e-09, v63  }
0x11b: {  	v2 =	vadd.f32 v3, v2;
	v3 =	vmul.f32 v42, v41  }
0x11c: {  	(erf) = vrcp.f32 v4  }
0x11d: {  	v2 =	vadd.f32 v3, v2;
	v3 =	vmul.f32 v9, v44;
	_ =	sdelay $0x1  }
0x11e: {  	v2 =	vadd.f32 v3, v2;
	v3 =	vmul.f32 v47, v46;
	_ =	sdelay $0x1  }
0x11f: {  	v2 =	vadd.f32 v3, v2;
	v3 =	vmul.f32 v50, v49  }
0x120: {  	s24 =	sadd.s32 $0x1, s24  }
0x121: {  	p0 =	sne.s32 s24, $0x5  }
.Ltmp6:
0x122: {  	v2 =	vadd.f32 v3, v2;
	(pc) =	sbr.rel @p0 .LBB2_12-.Ltmp6, $3  }
0x123: {  	v3 =	vpop (erf)  }
0x124: {  	v2 =	vmul.f32 v3, v2;
	_ =	sdelay $0x1  }
0x125: {  	[tilespmem:s25+$0x146C0] =	vst v2  }
0x126: {  	s23 =	simm.s32 $0x0  }
0x127: {  	[hbm4b:s7+s23] =	stream.linear.scatter [tilespmem:s21], [sflag:$0x3], $0x2710, $0x38;
	[tilespmem:$0x14780] =	vst v63  }
0x128: {  	_ =	swait.ge [sflag:s12], $0x2710  }
0x129: {  	[sflag:s12] =	ssyncset.done $0x0  }
0x12a: {  	[sflag:s12] =	ssyncadd.s32 $0xFFFFD8F0  }
0x12b: {  	[tilespmem:s23], [sflag:$0x3] =	stream.linear.gather [hbm4b:s8+s23], $0x3E80, $0x38;
	[tilespmem:$0x14780] =	vst v63  }
0x12c: {  	_ =	swait.ge [sflag:s12], $0x3E80  }
0x12d: {  	[sflag:s12] =	ssyncset.done $0x0  }
0x12e: {  	[sflag:s12] =	ssyncadd.s32 $0xFFFFC180  }
0x12f: {  	[tilespmem:s13], [sflag:$0x3] =	stream.linear.gather [hbm4b:s9+s23], $0x3E80, $0x38;
	[tilespmem:$0x14780] =	vst v63  }
0x130: {  	_ =	swait.ge [sflag:s12], $0x3E80  }
0x131: {  	[sflag:s12] =	ssyncset.done $0x0  }
0x132: {  	[sflag:s12] =	ssyncadd.s32 $0xFFFFC180  }
0x133: {  	[tilespmem:s15], [sflag:$0x1] =	stream.indirect.gather [hbm4b:s1+s14], $0x80, s23, s14, $0xb8;
	[tilespmem:$0x14780] =	vst v63  }
0x134: {  	_ = 	snop  }
0x135: {  	[tilespmem:s16], [sflag:$0x1] =	stream.indirect.gather [hbm4b:s2+s14], $0x80, s13, s14, $0xb8;
	[tilespmem:$0x14780] =	vst v63  }
.LBB2_16:
0x136: {  	_ =	swait.ge [sflag:s17], $0x2800  }
0x137: {  	[sflag:s17] =	ssyncset.done $0x0  }
0x138: {  	[sflag:s17] =	ssyncadd.s32 $0xFFFFD800  }
0x139: {  	_ =	swait.ge [sflag:s17], $0x2800  }
0x13a: {  	s24 =	sshllo.u32 s23, $0x1;
	[sflag:s17] =	ssyncset.done $0x0  }
0x13b: {  	s26 =	smul.u32 $0x280, s23;
	s25 =	sshll.u32 s24, $0x7;
	[sflag:s17] =	ssyncadd.s32 $0xFFFFD800  }
0x13c: {  	[tilespmem:s18], [sflag:$0x2] =	stream.indirect.gather [hbm4b:s1+s14], $0x80, s25, s14, $0xb8;
	[tilespmem:$0x14780] =	vst v63  }
0x13d: {  	s31 =	sshra.s32 s26, $0x2;
	s25 =	sadd.s32 $0x4000, s25  }
0x13e: {  	[tilespmem:s19], [sflag:$0x2] =	stream.indirect.gather [hbm4b:s2+s14], $0x80, s25, s14, $0xb8;
	[tilespmem:$0x14780] =	vst v63  }
0x13f: {  	s25 =	sadd.s32 $0x12000, s31  }
0x140: {  	v2 =	vmov s25;
	s25 =	simm.s32 $0x0  }
.LBB2_17:
0x141: {  	s26 =	sshll.u32 s25, $0x4  }
0x142: {  	s28 =	simm.s32 $0x0;
	v3 =	vmov s26  }
0x143: {  	v4 =	vadd.s32 s28, v0;
	v3 =	vshll.u32 v3, $0x7  }
0x144: {  	s28 =	simm.s32 $0x1;
	v10 =	vor.u32 v1, v3;
	v3 =	vand.u32 $0x7F, v4  }
0x145: {  	v4 =	vadd.s32 s28, v0;
	v3 =	vor.u32 v10, v3  }
0x146: {  	s28 =	simm.s32 $0x2;
	v4 =	vand.u32 $0x7F, v4  }
0x147: {  	v5 =	vadd.s32 s28, v0;
	v4 =	vor.u32 v10, v4  }
0x148: {  	s28 =	simm.s32 $0x3;
	v5 =	vand.u32 $0x7F, v5  }
0x149: {  	v6 =	vadd.s32 s28, v0;
	v7 =	vor.u32 v10, v5  }
0x14a: {  	v5 =	vand.u32 $0x7F, v6;
	v14 =	vld.idx.msk [tilespmem:v3+s15+$0x0], $0xffff  }
0x14b: {  	v9 =	vor.u32 v10, v5;
	v15 =	vld.idx.msk [tilespmem:v3+s16+$0x0], $0xffff  }
0x14c: {  	s29 =	simm.s32 $0x7;
	v3 =	vld.idx.msk [tilespmem:v4+s15+$0x0], $0xffff  }
0x14d: {  	s31 =	simm.s32 $0x5;
	v17 =	vimm.f32 $0.0e+00;
	v18 =	vimm.f32 $0.0e+00;
	v11 =	vadd.s32 s29, v0;
	s28 =	simm.s32 $0x4;
	v5 =	vld.idx.msk [tilespmem:v4+s16+$0x0], $0xffff  }
0x14e: {  	v13 =	vadd.s32 s31, v0;
	v11 =	vand.u32 $0x7F, v11;
	v8 =	vadd.s32 s28, v0;
	s28 =	simm.s32 $0x6;
	v4 =	vld.idx.msk [tilespmem:v7+s15+$0x0], $0xffff  }
0x14f: {  	v19 =	vand.u32 $0x7F, v13;
	v12 =	vadd.s32 s28, v0;
	v8 =	vand.u32 $0x7F, v8;
	v7 =	vld.idx.msk [tilespmem:v7+s16+$0x0], $0xffff  }
0x150: {  	v11 =	vor.u32 v10, v11;
	v16 =	vor.u32 v10, v8;
	v12 =	vand.u32 $0x7F, v12;
	v8 =	vld.idx.msk [tilespmem:v9+s15+$0x0], $0xffff  }
0x151: {  	v6 =	vimm.f32 $0.0e+00;
	s28 =	simm.s32 $0x8;
	v13 =	vor.u32 v10, v12;
	v9 =	vld.idx.msk [tilespmem:v9+s16+$0x0], $0xffff;
	v12 =	vmul.f32 v15, v14  }
.LBB2_18:
0x152: {  	p0 =	slt.u32 s28, $0x7C;
	v19 =	vor.u32 v10, v19;
	v14 =	vmul.f32 v14, v14;
	v15 =	vmul.f32 v15, v15  }
0x153: {  	v6 =	vadd.f32 v12, v6;
	v12 =	vmul.f32 v5, v3;
	v3 =	vmul.f32 v3, v3  }
0x154: {  	v5 =	vmul.f32 v5, v5;
	v17 =	vadd.f32 v14, v17;
	v15 =	vadd.f32 v15, v18  }
0x155: {  	v6 =	vadd.f32 v12, v6;
	v12 =	vmul.f32 v7, v4;
	v4 =	vmul.f32 v4, v4  }
0x156: {  	v7 =	vmul.f32 v7, v7;
	v14 =	vld.idx.msk [tilespmem:v16+s15+$0x0], $0xffff;
	v17 =	vadd.f32 v3, v17;
	v5 =	vadd.f32 v5, v15  }
0x157: {  	v15 =	vld.idx.msk [tilespmem:v16+s16+$0x0], $0xffff;
	v6 =	vadd.f32 v12, v6;
	v12 =	vmul.f32 v9, v8;
	v8 =	vmul.f32 v8, v8  }
0x158: {  	s29 =	sadd.s32 $0x3, s28;
	v9 =	vmul.f32 v9, v9;
	v3 =	vld.idx.msk [tilespmem:v19+s15+$0x0], $0xffff;
	v16 =	vadd.f32 v4, v17;
	v7 =	vadd.f32 v7, v5  }
.Ltmp7:
0x159: {  	v20 =	vadd.s32 s28, v0;
	s30 =	sadd.s32 $0x2, s28;
	v21 =	vadd.s32 s29, v0;
	v5 =	vld.idx.msk [tilespmem:v19+s16+$0x0], $0xffff;
	v6 =	vadd.f32 v12, v6;
	(pc) =	sbr.rel @p0 .LBB2_18-.Ltmp7, $4  }
0x15a: {  	s29 =	sadd.s32 $0x1, s28;
	v12 =	vadd.s32 s30, v0;
	v4 =	vld.idx.msk [tilespmem:v13+s15+$0x0], $0xffff;
	v17 =	vadd.f32 v8, v16;
	v18 =	vadd.f32 v9, v7  }
0x15b: {  	v8 =	vand.u32 $0x7F, v20;
	v9 =	vadd.s32 s29, v0;
	v20 =	vand.u32 $0x7F, v21;
	v7 =	vld.idx.msk [tilespmem:v13+s16+$0x0], $0xffff  }
0x15c: {  	v16 =	vor.u32 v10, v8;
	v19 =	vand.u32 $0x7F, v9;
	v9 =	vand.u32 $0x7F, v12;
	v8 =	vld.idx.msk [tilespmem:v11+s15+$0x0], $0xffff  }
0x15d: {  	s28 =	sadd.s32 $0x4, s28;
	v13 =	vor.u32 v10, v9;
	v12 =	vmul.f32 v15, v14;
	v9 =	vld.idx.msk [tilespmem:v11+s16+$0x0], $0xffff;
	v11 =	vor.u32 v10, v20  }
0x15e: {  	_ = 	snop  }
0x15f: {  	v10 =	vor.u32 v10, v19;
	v14 =	vmul.f32 v14, v14  }
0x160: {  	v15 =	vmul.f32 v15, v15  }
0x161: {  	v32 =	vmul.f32 v3, v3;
	v14 =	vadd.f32 v14, v17  }
0x162: {  	v33 =	vmul.f32 v5, v5;
	v34 =	vld.idx.msk [tilespmem:v16+s15+$0x0], $0xffff;
	v15 =	vadd.f32 v15, v18  }
0x163: {  	v35 =	vld.idx.msk [tilespmem:v16+s16+$0x0], $0xffff;
	v20 =	vmul.f32 v4, v4;
	v14 =	vadd.f32 v32, v14  }
0x164: {  	v36 =	vmul.f32 v7, v7;
	v15 =	vadd.f32 v33, v15;
	v37 =	vld.idx.msk [tilespmem:v10+s15+$0x0], $0xffff  }
0x165: {  	v21 =	vmul.f32 v8, v8;
	v10 =	vld.idx.msk [tilespmem:v10+s16+$0x0], $0xffff;
	v14 =	vadd.f32 v20, v14  }
0x166: {  	v39 =	vld.idx.msk [tilespmem:v13+s15+$0x0], $0xffff;
	v38 =	vmul.f32 v9, v9;
	v15 =	vadd.f32 v36, v15  }
0x167: {  	v40 =	vld.idx.msk [tilespmem:v13+s16+$0x0], $0xffff;
	v41 =	vmul.f32 v34, v34;
	v14 =	vadd.f32 v21, v14  }
0x168: {  	v42 =	vld.idx.msk [tilespmem:v11+s15+$0x0], $0xffff;
	v22 =	vmul.f32 v35, v35;
	v15 =	vadd.f32 v38, v15  }
0x169: {  	v43 =	vld.idx.msk [tilespmem:v11+s16+$0x0], $0xffff;
	v23 =	vmul.f32 v37, v37;
	v14 =	vadd.f32 v41, v14  }
0x16a: {  	v15 =	vadd.f32 v22, v15;
	v44 =	vmul.f32 v10, v10  }
0x16b: {  	v45 =	vmul.f32 v39, v39;
	v14 =	vadd.f32 v23, v14  }
0x16c: {  	v46 =	vmul.f32 v40, v40;
	v15 =	vadd.f32 v44, v15  }
0x16d: {  	v47 =	vmul.f32 v42, v42;
	v14 =	vadd.f32 v45, v14  }
0x16e: {  	v48 =	vmul.f32 v43, v43;
	v15 =	vadd.f32 v46, v15  }
0x16f: {  	v14 =	vadd.f32 v47, v14  }
0x170: {  	v15 =	vadd.f32 v48, v15  }
0x171: {  	v14 =	vmax.f32 v14, $1.000000020e-35  }
0x172: {  	v15 =	vmax.f32 v15, $1.000000020e-35;
	v49 =	vshra.s32 v14, $0x1  }
0x173: {  	v50 =	vmul.f32 $5.000000000e-01, v14;
	v51 =	vshra.s32 v15, $0x1;
	v24 =	vmul.f32 $5.000000000e-01, v15  }
0x174: {  	v21 =	vsub.s32 $0x5F3759DF, v49;
	v23 =	vsub.s32 $0x5F3759DF, v51  }
0x175: {  	v25 =	vmul.f32 v21, v50;
	v26 =	vmul.f32 v23, v24;
	_ =	sdelay $0x1  }
0x176: {  	v25 =	vmul.f32 v21, v25;
	v26 =	vmul.f32 v23, v26;
	_ =	sdelay $0x1  }
0x177: {  	v25 =	vsub.f32 $1.500000000e+00, v25;
	v26 =	vsub.f32 $1.500000000e+00, v26;
	_ =	sdelay $0x1  }
0x178: {  	v21 =	vmul.f32 v21, v25;
	v23 =	vmul.f32 v23, v26;
	_ =	sdelay $0x1  }
0x179: {  	v25 =	vmul.f32 v21, v50;
	v26 =	vmul.f32 v23, v24;
	_ =	sdelay $0x1  }
0x17a: {  	v25 =	vmul.f32 v25, v21;
	v26 =	vmul.f32 v26, v23;
	_ =	sdelay $0x1  }
0x17b: {  	v25 =	vsub.f32 $1.500000000e+00, v25;
	v26 =	vsub.f32 $1.500000000e+00, v26;
	_ =	sdelay $0x1  }
0x17c: {  	v21 =	vmul.f32 v25, v21;
	v23 =	vmul.f32 v26, v23;
	_ =	sdelay $0x1  }
0x17d: {  	v22 =	vmul.f32 v21, v50;
	v24 =	vmul.f32 v23, v24;
	_ =	sdelay $0x1  }
0x17e: {  	v22 =	vmul.f32 v22, v21;
	v24 =	vmul.f32 v24, v23;
	_ =	sdelay $0x1  }
0x17f: {  	v22 =	vsub.f32 $1.500000000e+00, v22;
	v24 =	vsub.f32 $1.500000000e+00, v24;
	_ =	sdelay $0x1  }
0x180: {  	v21 =	vmul.f32 v22, v21;
	v52 =	vmul.f32 v24, v23  }
0x181: {  	v3 =	vmul.f32 v5, v3  }
0x182: {  	v53 =	vadd.f32 v12, v6;
	v54 =	vmul.f32 v21, v14;
	v55 =	vmul.f32 v52, v15;
	_ =	sdelay $0x1  }
0x183: {  	v56 =	vmul.f32 v7, v4;
	v3 =	vadd.f32 v3, v53;
	v57 =	vmul.f32 v55, v54;
	_ =	sdelay $0x1  }
0x184: {  	v58 =	vmul.f32 v9, v8;
	v3 =	vadd.f32 v56, v3;
	v5 =	vadd.f32 $9.999999930e-09, v57;
	_ =	sdelay $0x1  }
0x185: {  	v59 =	vmul.f32 v35, v34;
	v3 =	vadd.f32 v58, v3;
	(erf) = vrcp.f32 v5;
	_ =	sdelay $0x1  }
0x186: {  	v3 =	vadd.f32 v59, v3;
	v60 =	vmul.f32 v10, v37;
	_ =	sdelay $0x1  }
0x187: {  	v61 =	vmul.f32 v40, v39;
	v3 =	vadd.f32 v60, v3;
	_ =	sdelay $0x1  }
0x188: {  	s25 =	sadd.s32 $0x1, s25;
	v62 =	vmul.f32 v43, v42;
	v3 =	vadd.f32 v61, v3  }
0x189: {  	p0 =	sne.s32 s25, $0x5  }
.Ltmp8:
0x18a: {  	v3 =	vadd.f32 v62, v3;
	(pc) =	sbr.rel @p0 .LBB2_17-.Ltmp8, $3  }
0x18b: {  	v63 =	vpop (erf)  }
0x18c: {  	v3 =	vmul.f32 v63, v3;
	_ =	sdelay $0x1  }
0x18d: {  	[tilespmem:v2+s26+$0x0 ss:$0x1] =	vst.idx.msk $0xffff, v3  }
0x18e: {  	_ =	swait.ge [sflag:s20], $0x2800  }
0x18f: {  	[sflag:s20] =	ssyncset.done $0x0  }
0x190: {  	[sflag:s20] =	ssyncadd.s32 $0xFFFFD800  }
0x191: {  	s24 =	smul.u32 $0x140, s24;
	_ =	swait.ge [sflag:s20], $0x2800  }
0x192: {  	s25 =	sshll.u32 s23, $0x8;
	[sflag:s20] =	ssyncset.done $0x0  }
0x193: {  	s26 =	sadd.s32 $0x100, s25;
	s24 =	sshra.s32 s24, $0x2;
	[sflag:s20] =	ssyncadd.s32 $0xFFFFD800  }
0x194: {  	[tilespmem:s15], [sflag:$0x1] =	stream.indirect.gather [hbm4b:s1+s14], $0x80, s26, s14, $0xb8;
	[tilespmem:$0x14780] =	vst v63  }
0x195: {  	s25 =	sadd.s32 $0x4100, s25;
	s31 =	sadd.s32 $0x12000, s24  }
0x196: {  	[tilespmem:s16], [sflag:$0x1] =	stream.indirect.gather [hbm4b:s2+s14], $0x80, s25, s14, $0xb8;
	[tilespmem:$0x14780] =	vst v63  }
0x197: {  	s24 =	simm.s32 $0x0;
	v2 =	vmov s31;
	s25 =	simm.s32 $0x0  }
.LBB2_21:
0x198: {  	s26 =	sshll.u32 s25, $0x4  }
0x199: {  	v3 =	vmov s26  }
0x19a: {  	v4 =	vadd.s32 s24, v0;
	v3 =	vshll.u32 v3, $0x7  }
0x19b: {  	s28 =	simm.s32 $0x1;
	v10 =	vor.u32 v1, v3;
	v3 =	vand.u32 $0x7F, v4  }
0x19c: {  	v4 =	vadd.s32 s28, v0;
	v3 =	vor.u32 v10, v3  }
0x19d: {  	s28 =	simm.s32 $0x2;
	v4 =	vand.u32 $0x7F, v4  }
0x19e: {  	v5 =	vadd.s32 s28, v0;
	v4 =	vor.u32 v10, v4  }
0x19f: {  	s28 =	simm.s32 $0x3;
	v5 =	vand.u32 $0x7F, v5  }
0x1a0: {  	v6 =	vadd.s32 s28, v0;
	v7 =	vor.u32 v10, v5  }
0x1a1: {  	v5 =	vand.u32 $0x7F, v6;
	v14 =	vld.idx.msk [tilespmem:v3+s18+$0x0], $0xffff  }
0x1a2: {  	v9 =	vor.u32 v10, v5;
	v15 =	vld.idx.msk [tilespmem:v3+s19+$0x0], $0xffff  }
0x1a3: {  	s29 =	simm.s32 $0x7;
	v3 =	vld.idx.msk [tilespmem:v4+s18+$0x0], $0xffff  }
0x1a4: {  	s31 =	simm.s32 $0x5;
	v17 =	vimm.f32 $0.0e+00;
	v18 =	vimm.f32 $0.0e+00;
	v11 =	vadd.s32 s29, v0;
	s28 =	simm.s32 $0x4;
	v5 =	vld.idx.msk [tilespmem:v4+s19+$0x0], $0xffff  }
0x1a5: {  	v13 =	vadd.s32 s31, v0;
	v11 =	vand.u32 $0x7F, v11;
	v8 =	vadd.s32 s28, v0;
	s28 =	simm.s32 $0x6;
	v4 =	vld.idx.msk [tilespmem:v7+s18+$0x0], $0xffff  }
0x1a6: {  	v19 =	vand.u32 $0x7F, v13;
	v12 =	vadd.s32 s28, v0;
	v8 =	vand.u32 $0x7F, v8;
	v7 =	vld.idx.msk [tilespmem:v7+s19+$0x0], $0xffff  }
0x1a7: {  	v11 =	vor.u32 v10, v11;
	v16 =	vor.u32 v10, v8;
	v12 =	vand.u32 $0x7F, v12;
	v8 =	vld.idx.msk [tilespmem:v9+s18+$0x0], $0xffff  }
0x1a8: {  	v6 =	vimm.f32 $0.0e+00;
	s28 =	simm.s32 $0x8;
	v13 =	vor.u32 v10, v12;
	v9 =	vld.idx.msk [tilespmem:v9+s19+$0x0], $0xffff;
	v12 =	vmul.f32 v15, v14  }
.LBB2_22:
0x1a9: {  	p0 =	slt.u32 s28, $0x7C;
	v19 =	vor.u32 v10, v19;
	v14 =	vmul.f32 v14, v14;
	v15 =	vmul.f32 v15, v15  }
0x1aa: {  	v6 =	vadd.f32 v12, v6;
	v12 =	vmul.f32 v5, v3;
	v3 =	vmul.f32 v3, v3  }
0x1ab: {  	v5 =	vmul.f32 v5, v5;
	v17 =	vadd.f32 v14, v17;
	v15 =	vadd.f32 v15, v18  }
0x1ac: {  	v6 =	vadd.f32 v12, v6;
	v12 =	vmul.f32 v7, v4;
	v4 =	vmul.f32 v4, v4  }
0x1ad: {  	v7 =	vmul.f32 v7, v7;
	v14 =	vld.idx.msk [tilespmem:v16+s18+$0x0], $0xffff;
	v17 =	vadd.f32 v3, v17;
	v5 =	vadd.f32 v5, v15  }
0x1ae: {  	v15 =	vld.idx.msk [tilespmem:v16+s19+$0x0], $0xffff;
	v6 =	vadd.f32 v12, v6;
	v12 =	vmul.f32 v9, v8;
	v8 =	vmul.f32 v8, v8  }
0x1af: {  	s29 =	sadd.s32 $0x3, s28;
	v9 =	vmul.f32 v9, v9;
	v3 =	vld.idx.msk [tilespmem:v19+s18+$0x0], $0xffff;
	v16 =	vadd.f32 v4, v17;
	v7 =	vadd.f32 v7, v5  }
.Ltmp9:
0x1b0: {  	v20 =	vadd.s32 s28, v0;
	s30 =	sadd.s32 $0x2, s28;
	v21 =	vadd.s32 s29, v0;
	v5 =	vld.idx.msk [tilespmem:v19+s19+$0x0], $0xffff;
	v6 =	vadd.f32 v12, v6;
	(pc) =	sbr.rel @p0 .LBB2_22-.Ltmp9, $4  }
0x1b1: {  	s29 =	sadd.s32 $0x1, s28;
	v12 =	vadd.s32 s30, v0;
	v4 =	vld.idx.msk [tilespmem:v13+s18+$0x0], $0xffff;
	v17 =	vadd.f32 v8, v16;
	v18 =	vadd.f32 v9, v7  }
0x1b2: {  	v8 =	vand.u32 $0x7F, v20;
	v9 =	vadd.s32 s29, v0;
	v20 =	vand.u32 $0x7F, v21;
	v7 =	vld.idx.msk [tilespmem:v13+s19+$0x0], $0xffff  }
0x1b3: {  	v16 =	vor.u32 v10, v8;
	v19 =	vand.u32 $0x7F, v9;
	v9 =	vand.u32 $0x7F, v12;
	v8 =	vld.idx.msk [tilespmem:v11+s18+$0x0], $0xffff  }
0x1b4: {  	s28 =	sadd.s32 $0x4, s28;
	v13 =	vor.u32 v10, v9;
	v12 =	vmul.f32 v15, v14;
	v9 =	vld.idx.msk [tilespmem:v11+s19+$0x0], $0xffff;
	v11 =	vor.u32 v10, v20  }
0x1b5: {  	_ = 	snop  }
0x1b6: {  	v10 =	vor.u32 v10, v19;
	v14 =	vmul.f32 v14, v14  }
0x1b7: {  	v15 =	vmul.f32 v15, v15  }
0x1b8: {  	v32 =	vmul.f32 v3, v3;
	v14 =	vadd.f32 v14, v17  }
0x1b9: {  	v33 =	vmul.f32 v5, v5;
	v34 =	vld.idx.msk [tilespmem:v16+s18+$0x0], $0xffff;
	v15 =	vadd.f32 v15, v18  }
0x1ba: {  	v35 =	vld.idx.msk [tilespmem:v16+s19+$0x0], $0xffff;
	v20 =	vmul.f32 v4, v4;
	v14 =	vadd.f32 v32, v14  }
0x1bb: {  	v36 =	vmul.f32 v7, v7;
	v15 =	vadd.f32 v33, v15;
	v37 =	vld.idx.msk [tilespmem:v10+s18+$0x0], $0xffff  }
0x1bc: {  	v21 =	vmul.f32 v8, v8;
	v10 =	vld.idx.msk [tilespmem:v10+s19+$0x0], $0xffff;
	v14 =	vadd.f32 v20, v14  }
0x1bd: {  	v39 =	vld.idx.msk [tilespmem:v13+s18+$0x0], $0xffff;
	v38 =	vmul.f32 v9, v9;
	v15 =	vadd.f32 v36, v15  }
0x1be: {  	v40 =	vld.idx.msk [tilespmem:v13+s19+$0x0], $0xffff;
	v41 =	vmul.f32 v34, v34;
	v14 =	vadd.f32 v21, v14  }
0x1bf: {  	v42 =	vld.idx.msk [tilespmem:v11+s18+$0x0], $0xffff;
	v22 =	vmul.f32 v35, v35;
	v15 =	vadd.f32 v38, v15  }
0x1c0: {  	v43 =	vld.idx.msk [tilespmem:v11+s19+$0x0], $0xffff;
	v23 =	vmul.f32 v37, v37;
	v14 =	vadd.f32 v41, v14  }
0x1c1: {  	v15 =	vadd.f32 v22, v15;
	v44 =	vmul.f32 v10, v10  }
0x1c2: {  	v45 =	vmul.f32 v39, v39;
	v14 =	vadd.f32 v23, v14  }
0x1c3: {  	v46 =	vmul.f32 v40, v40;
	v15 =	vadd.f32 v44, v15  }
0x1c4: {  	v47 =	vmul.f32 v42, v42;
	v14 =	vadd.f32 v45, v14  }
0x1c5: {  	v48 =	vmul.f32 v43, v43;
	v15 =	vadd.f32 v46, v15  }
0x1c6: {  	v14 =	vadd.f32 v47, v14  }
0x1c7: {  	v15 =	vadd.f32 v48, v15  }
0x1c8: {  	v14 =	vmax.f32 v14, $1.000000020e-35  }
0x1c9: {  	v15 =	vmax.f32 v15, $1.000000020e-35;
	v49 =	vshra.s32 v14, $0x1  }
0x1ca: {  	v50 =	vmul.f32 $5.000000000e-01, v14;
	v51 =	vshra.s32 v15, $0x1;
	v24 =	vmul.f32 $5.000000000e-01, v15  }
0x1cb: {  	v21 =	vsub.s32 $0x5F3759DF, v49;
	v23 =	vsub.s32 $0x5F3759DF, v51  }
0x1cc: {  	v25 =	vmul.f32 v21, v50;
	v26 =	vmul.f32 v23, v24;
	_ =	sdelay $0x1  }
0x1cd: {  	v25 =	vmul.f32 v21, v25;
	v26 =	vmul.f32 v23, v26;
	_ =	sdelay $0x1  }
0x1ce: {  	v25 =	vsub.f32 $1.500000000e+00, v25;
	v26 =	vsub.f32 $1.500000000e+00, v26;
	_ =	sdelay $0x1  }
0x1cf: {  	v21 =	vmul.f32 v21, v25;
	v23 =	vmul.f32 v23, v26;
	_ =	sdelay $0x1  }
0x1d0: {  	v25 =	vmul.f32 v21, v50;
	v26 =	vmul.f32 v23, v24;
	_ =	sdelay $0x1  }
0x1d1: {  	v25 =	vmul.f32 v25, v21;
	v26 =	vmul.f32 v26, v23;
	_ =	sdelay $0x1  }
0x1d2: {  	v25 =	vsub.f32 $1.500000000e+00, v25;
	v26 =	vsub.f32 $1.500000000e+00, v26;
	_ =	sdelay $0x1  }
0x1d3: {  	v21 =	vmul.f32 v25, v21;
	v23 =	vmul.f32 v26, v23;
	_ =	sdelay $0x1  }
0x1d4: {  	v22 =	vmul.f32 v21, v50;
	v24 =	vmul.f32 v23, v24;
	_ =	sdelay $0x1  }
0x1d5: {  	v22 =	vmul.f32 v22, v21;
	v24 =	vmul.f32 v24, v23;
	_ =	sdelay $0x1  }
0x1d6: {  	v22 =	vsub.f32 $1.500000000e+00, v22;
	v24 =	vsub.f32 $1.500000000e+00, v24;
	_ =	sdelay $0x1  }
0x1d7: {  	v21 =	vmul.f32 v22, v21;
	v52 =	vmul.f32 v24, v23  }
0x1d8: {  	v3 =	vmul.f32 v5, v3  }
0x1d9: {  	v53 =	vadd.f32 v12, v6;
	v54 =	vmul.f32 v21, v14;
	v55 =	vmul.f32 v52, v15;
	_ =	sdelay $0x1  }
0x1da: {  	v56 =	vmul.f32 v7, v4;
	v3 =	vadd.f32 v3, v53;
	v57 =	vmul.f32 v55, v54;
	_ =	sdelay $0x1  }
0x1db: {  	v58 =	vmul.f32 v9, v8;
	v3 =	vadd.f32 v56, v3;
	v5 =	vadd.f32 $9.999999930e-09, v57;
	_ =	sdelay $0x1  }
0x1dc: {  	v59 =	vmul.f32 v35, v34;
	v3 =	vadd.f32 v58, v3;
	(erf) = vrcp.f32 v5;
	_ =	sdelay $0x1  }
0x1dd: {  	v3 =	vadd.f32 v59, v3;
	v60 =	vmul.f32 v10, v37;
	_ =	sdelay $0x1  }
0x1de: {  	v61 =	vmul.f32 v40, v39;
	v3 =	vadd.f32 v60, v3;
	_ =	sdelay $0x1  }
0x1df: {  	s25 =	sadd.s32 $0x1, s25;
	v62 =	vmul.f32 v43, v42;
	v3 =	vadd.f32 v61, v3  }
0x1e0: {  	p0 =	sne.s32 s25, $0x5  }
.Ltmp10:
0x1e1: {  	v3 =	vadd.f32 v62, v3;
	(pc) =	sbr.rel @p0 .LBB2_21-.Ltmp10, $3  }
0x1e2: {  	v63 =	vpop (erf)  }
0x1e3: {  	v3 =	vmul.f32 v63, v3;
	_ =	sdelay $0x1  }
0x1e4: {  	[tilespmem:v2+s26+$0x0 ss:$0x1] =	vst.idx.msk $0xffff, v3  }
0x1e5: {  	s23 =	sadd.s32 $0x1, s23  }
0x1e6: {  	p0 =	sne.s32 s23, $0x3E  }
.Ltmp11:
0x1e7: {  	_ = 	snop;
	(pc) =	sbr.rel @p0 .LBB2_16-.Ltmp11, $1  }
0x1e8: {  	_ =	sdelay $0x3  }
0x1e9: {  	_ =	swait.ge [sflag:s17], $0x2800  }
0x1ea: {  	[sflag:s17] =	ssyncset.done $0x0  }
0x1eb: {  	[sflag:s17] =	ssyncadd.s32 $0xFFFFD800  }
0x1ec: {  	_ =	swait.ge [sflag:s17], $0x2800  }
0x1ed: {  	[sflag:s17] =	ssyncset.done $0x0  }
0x1ee: {  	s23 =	simm.s32 $0x0;
	s24 =	simm.s32 $0x0;
	[sflag:s17] =	ssyncadd.s32 $0xFFFFD800  }
.LBB2_26:
0x1ef: {  	s25 =	sshll.u32 s24, $0x4  }
0x1f0: {  	v2 =	vmov s25  }
0x1f1: {  	v3 =	vadd.s32 s23, v0;
	v2 =	vshll.u32 v2, $0x7  }
0x1f2: {  	s26 =	simm.s32 $0x1;
	v9 =	vor.u32 v1, v2;
	v2 =	vand.u32 $0x7F, v3  }
0x1f3: {  	v3 =	vadd.s32 s26, v0;
	v2 =	vor.u32 v9, v2  }
0x1f4: {  	s31 =	simm.s32 $0x2;
	v3 =	vand.u32 $0x7F, v3  }
0x1f5: {  	v4 =	vadd.s32 s31, v0;
	v3 =	vor.u32 v9, v3  }
0x1f6: {  	s28 =	simm.s32 $0x3;
	v4 =	vand.u32 $0x7F, v4  }
0x1f7: {  	v5 =	vadd.s32 s28, v0;
	v6 =	vor.u32 v9, v4  }
0x1f8: {  	v4 =	vand.u32 $0x7F, v5;
	v13 =	vld.idx.msk [tilespmem:v2+s15+$0x0], $0xffff  }
0x1f9: {  	v8 =	vor.u32 v9, v4;
	v14 =	vld.idx.msk [tilespmem:v2+s16+$0x0], $0xffff  }
0x1fa: {  	s29 =	simm.s32 $0x4;
	v2 =	vld.idx.msk [tilespmem:v3+s15+$0x0], $0xffff  }
0x1fb: {  	s30 =	simm.s32 $0x6;
	v16 =	vimm.f32 $0.0e+00;
	v17 =	vimm.f32 $0.0e+00;
	s28 =	simm.s32 $0x7;
	v7 =	vadd.s32 s29, v0;
	v4 =	vld.idx.msk [tilespmem:v3+s16+$0x0], $0xffff  }
0x1fc: {  	s31 =	simm.s32 $0x5;
	v11 =	vadd.s32 s30, v0;
	v10 =	vadd.s32 s28, v0;
	v7 =	vand.u32 $0x7F, v7;
	v3 =	vld.idx.msk [tilespmem:v6+s15+$0x0], $0xffff  }
0x1fd: {  	v12 =	vadd.s32 s31, v0;
	v11 =	vand.u32 $0x7F, v11;
	v10 =	vand.u32 $0x7F, v10;
	v6 =	vld.idx.msk [tilespmem:v6+s16+$0x0], $0xffff  }
0x1fe: {  	v18 =	vand.u32 $0x7F, v12;
	v5 =	vimm.f32 $0.0e+00;
	v15 =	vor.u32 v9, v7;
	v7 =	vld.idx.msk [tilespmem:v8+s15+$0x0], $0xffff  }
0x1ff: {  	s26 =	simm.s32 $0x8;
	v12 =	vor.u32 v9, v11;
	v10 =	vor.u32 v9, v10;
	v8 =	vld.idx.msk [tilespmem:v8+s16+$0x0], $0xffff;
	v11 =	vmul.f32 v14, v13  }
.LBB2_27:
0x200: {  	p0 =	slt.u32 s26, $0x7C;
	v18 =	vor.u32 v9, v18;
	v13 =	vmul.f32 v13, v13;
	v14 =	vmul.f32 v14, v14  }
0x201: {  	v5 =	vadd.f32 v11, v5;
	v11 =	vmul.f32 v4, v2;
	v2 =	vmul.f32 v2, v2  }
0x202: {  	v4 =	vmul.f32 v4, v4;
	v16 =	vadd.f32 v13, v16;
	v14 =	vadd.f32 v14, v17  }
0x203: {  	v5 =	vadd.f32 v11, v5;
	v11 =	vmul.f32 v6, v3;
	v3 =	vmul.f32 v3, v3  }
0x204: {  	v6 =	vmul.f32 v6, v6;
	v13 =	vld.idx.msk [tilespmem:v15+s15+$0x0], $0xffff;
	v16 =	vadd.f32 v2, v16;
	v4 =	vadd.f32 v4, v14  }
0x205: {  	v14 =	vld.idx.msk [tilespmem:v15+s16+$0x0], $0xffff;
	v5 =	vadd.f32 v11, v5;
	v11 =	vmul.f32 v8, v7;
	v7 =	vmul.f32 v7, v7  }
0x206: {  	s28 =	sadd.s32 $0x3, s26;
	v8 =	vmul.f32 v8, v8;
	v2 =	vld.idx.msk [tilespmem:v18+s15+$0x0], $0xffff;
	v15 =	vadd.f32 v3, v16;
	v6 =	vadd.f32 v6, v4  }
.Ltmp12:
0x207: {  	v19 =	vadd.s32 s26, v0;
	s29 =	sadd.s32 $0x2, s26;
	v20 =	vadd.s32 s28, v0;
	v4 =	vld.idx.msk [tilespmem:v18+s16+$0x0], $0xffff;
	v5 =	vadd.f32 v11, v5;
	(pc) =	sbr.rel @p0 .LBB2_27-.Ltmp12, $4  }
0x208: {  	s28 =	sadd.s32 $0x1, s26;
	v11 =	vadd.s32 s29, v0;
	v3 =	vld.idx.msk [tilespmem:v12+s15+$0x0], $0xffff;
	v16 =	vadd.f32 v7, v15;
	v17 =	vadd.f32 v8, v6  }
0x209: {  	v7 =	vand.u32 $0x7F, v19;
	v8 =	vadd.s32 s28, v0;
	v19 =	vand.u32 $0x7F, v20;
	v6 =	vld.idx.msk [tilespmem:v12+s16+$0x0], $0xffff  }
0x20a: {  	v15 =	vor.u32 v9, v7;
	v18 =	vand.u32 $0x7F, v8;
	v8 =	vand.u32 $0x7F, v11;
	v7 =	vld.idx.msk [tilespmem:v10+s15+$0x0], $0xffff  }
0x20b: {  	s26 =	sadd.s32 $0x4, s26;
	v12 =	vor.u32 v9, v8;
	v11 =	vmul.f32 v14, v13;
	v8 =	vld.idx.msk [tilespmem:v10+s16+$0x0], $0xffff;
	v10 =	vor.u32 v9, v19  }
0x20c: {  	_ = 	snop  }
0x20d: {  	v9 =	vor.u32 v9, v18;
	v13 =	vmul.f32 v13, v13  }
0x20e: {  	v14 =	vmul.f32 v14, v14  }
0x20f: {  	v39 =	vmul.f32 v2, v2;
	v13 =	vadd.f32 v13, v16  }
0x210: {  	v40 =	vmul.f32 v4, v4;
	v41 =	vld.idx.msk [tilespmem:v15+s15+$0x0], $0xffff;
	v14 =	vadd.f32 v14, v17  }
0x211: {  	v42 =	vld.idx.msk [tilespmem:v15+s16+$0x0], $0xffff;
	v19 =	vmul.f32 v3, v3;
	v13 =	vadd.f32 v39, v13  }
0x212: {  	v43 =	vmul.f32 v6, v6;
	v14 =	vadd.f32 v40, v14;
	v44 =	vld.idx.msk [tilespmem:v9+s15+$0x0], $0xffff  }
0x213: {  	v20 =	vmul.f32 v7, v7;
	v9 =	vld.idx.msk [tilespmem:v9+s16+$0x0], $0xffff;
	v13 =	vadd.f32 v19, v13  }
0x214: {  	v46 =	vld.idx.msk [tilespmem:v12+s15+$0x0], $0xffff;
	v45 =	vmul.f32 v8, v8;
	v14 =	vadd.f32 v43, v14  }
0x215: {  	v47 =	vld.idx.msk [tilespmem:v12+s16+$0x0], $0xffff;
	v48 =	vmul.f32 v41, v41;
	v13 =	vadd.f32 v20, v13  }
0x216: {  	v49 =	vld.idx.msk [tilespmem:v10+s15+$0x0], $0xffff;
	v21 =	vmul.f32 v42, v42;
	v14 =	vadd.f32 v45, v14  }
0x217: {  	v50 =	vld.idx.msk [tilespmem:v10+s16+$0x0], $0xffff;
	v22 =	vmul.f32 v44, v44;
	v13 =	vadd.f32 v48, v13  }
0x218: {  	v14 =	vadd.f32 v21, v14;
	v51 =	vmul.f32 v9, v9  }
0x219: {  	v52 =	vmul.f32 v46, v46;
	v13 =	vadd.f32 v22, v13  }
0x21a: {  	v53 =	vmul.f32 v47, v47;
	v14 =	vadd.f32 v51, v14  }
0x21b: {  	v54 =	vmul.f32 v49, v49;
	v13 =	vadd.f32 v52, v13  }
0x21c: {  	v55 =	vmul.f32 v50, v50;
	v14 =	vadd.f32 v53, v14  }
0x21d: {  	v13 =	vadd.f32 v54, v13  }
0x21e: {  	v14 =	vadd.f32 v55, v14  }
0x21f: {  	v13 =	vmax.f32 v13, $1.000000020e-35  }
0x220: {  	v14 =	vmax.f32 v14, $1.000000020e-35;
	v56 =	vshra.s32 v13, $0x1  }
0x221: {  	v57 =	vmul.f32 $5.000000000e-01, v13;
	v58 =	vshra.s32 v14, $0x1;
	v23 =	vmul.f32 $5.000000000e-01, v14  }
0x222: {  	v20 =	vsub.s32 $0x5F3759DF, v56;
	v22 =	vsub.s32 $0x5F3759DF, v58  }
0x223: {  	v24 =	vmul.f32 v20, v57;
	v25 =	vmul.f32 v22, v23;
	_ =	sdelay $0x1  }
0x224: {  	v24 =	vmul.f32 v20, v24;
	v25 =	vmul.f32 v22, v25;
	_ =	sdelay $0x1  }
0x225: {  	v24 =	vsub.f32 $1.500000000e+00, v24;
	v25 =	vsub.f32 $1.500000000e+00, v25;
	_ =	sdelay $0x1  }
0x226: {  	v20 =	vmul.f32 v20, v24;
	v22 =	vmul.f32 v22, v25;
	_ =	sdelay $0x1  }
0x227: {  	v24 =	vmul.f32 v20, v57;
	v25 =	vmul.f32 v22, v23;
	_ =	sdelay $0x1  }
0x228: {  	v24 =	vmul.f32 v24, v20;
	v25 =	vmul.f32 v25, v22;
	_ =	sdelay $0x1  }
0x229: {  	v24 =	vsub.f32 $1.500000000e+00, v24;
	v25 =	vsub.f32 $1.500000000e+00, v25;
	_ =	sdelay $0x1  }
0x22a: {  	v20 =	vmul.f32 v24, v20;
	v22 =	vmul.f32 v25, v22;
	_ =	sdelay $0x1  }
0x22b: {  	v21 =	vmul.f32 v20, v57;
	v23 =	vmul.f32 v22, v23;
	_ =	sdelay $0x1  }
0x22c: {  	v21 =	vmul.f32 v21, v20;
	v23 =	vmul.f32 v23, v22;
	_ =	sdelay $0x1  }
0x22d: {  	v21 =	vsub.f32 $1.500000000e+00, v21;
	v23 =	vsub.f32 $1.500000000e+00, v23;
	_ =	sdelay $0x1  }
0x22e: {  	v20 =	vmul.f32 v21, v20;
	v59 =	vmul.f32 v23, v22  }
0x22f: {  	v2 =	vmul.f32 v4, v2;
	v60 =	vadd.f32 v11, v5  }
0x230: {  	v61 =	vmul.f32 v20, v13;
	v62 =	vmul.f32 v59, v14  }
0x231: {  	v3 =	vmul.f32 v6, v3;
	v2 =	vadd.f32 v2, v60  }
0x232: {  	v63 =	vmul.f32 v62, v61  }
0x233: {  	v2 =	vadd.f32 v3, v2;
	v3 =	vmul.f32 v8, v7  }
0x234: {  	v4 =	vadd.f32 $9.999999930e-09, v63  }
0x235: {  	v2 =	vadd.f32 v3, v2;
	v3 =	vmul.f32 v42, v41  }
0x236: {  	(erf) = vrcp.f32 v4  }
0x237: {  	v2 =	vadd.f32 v3, v2;
	v3 =	vmul.f32 v9, v44;
	_ =	sdelay $0x1  }
0x238: {  	v2 =	vadd.f32 v3, v2;
	v3 =	vmul.f32 v47, v46;
	_ =	sdelay $0x1  }
0x239: {  	v2 =	vadd.f32 v3, v2;
	v3 =	vmul.f32 v50, v49  }
0x23a: {  	s24 =	sadd.s32 $0x1, s24  }
0x23b: {  	p0 =	sne.s32 s24, $0x5  }
.Ltmp13:
0x23c: {  	v2 =	vadd.f32 v3, v2;
	(pc) =	sbr.rel @p0 .LBB2_26-.Ltmp13, $3  }
0x23d: {  	v3 =	vpop (erf)  }
0x23e: {  	v2 =	vmul.f32 v3, v2;
	_ =	sdelay $0x1  }
0x23f: {  	[tilespmem:s25+$0x146C0] =	vst v2  }
0x240: {  	s22 =	sadd.s32 $0x1, s22  }
0x241: {  	p0 =	sne.s32 s22, s11  }
.Ltmp14:
0x242: {  	_ = 	snop;
	(pc) =	sbr.rel @p0 .LBB2_1-.Ltmp14, $4  }
0x243: {  	[hbm4b:s10+s4] =	stream.linear.scatter [tilespmem:s21], [sflag:$0x3], $0x2710, $0x38;
	[tilespmem:$0x14780] =	vst v63  }
0x244: {  	_ =	swait.ge [sflag:s12], $0x2710  }
0x245: {  	[sflag:s12] =	ssyncset.done $0x0  }
0x246: {  	[sflag:s12] =	ssyncadd.s32 $0xFFFFD8F0  }
0x247: {  	_ =	sfence.sel $0x180000  }
0x248: {  	[bflag:$0x0] =	sbarrier.arrive $0xFFFF  }
0x249: {  	p0 =	sne.s32 s3, $0x0;
	_ =	strace $0x90000047  }
0x24a: {  	s0 =	sadd.s32 @!p0 $0x100000, s0;
	[bflag:$0x2] =	sbarrier.arrive $0xFFFF  }
0x24b: {  	[sflag:s0] =	ssyncadd.tile.s32 @!p0 $0x1;
	_ =	shalt  }
.Lfunc_end2:
_tile_overlayer_lowered:
.L_overlay_start_2:
0x24c: {  	(tag) =	ssettag $0x2  }
0x24d: {  	s0 =	rddreg [dreg:$0x0];
	s2 =	stileid.u32  }
0x24e: {  	s1 =	rddreg [dreg:$0x1];
	p0 =	sne.s32 s2, $0x0  }
0x24f: {  	s3 =	rddreg [dreg:$0x2];
	[bflag:$0x3] =	sbarrier.arrive $0xFFFF;
	s2 =	simm.s32 @!p0 $0x1C03  }
0x250: {  	[timem:s3], [sflag:s2] =	dma.local @!p0 [hbm:s0], s1  }
0x251: {  	s0 =	simm.s32 @!p0 $0x3  }
0x252: {  	_ =	swait.ge @!p0 [sflag:s0], s1  }
0x253: {  	s1 =	ssub.s32 @!p0 $0x0, s1;
	[sflag:s0] =	ssyncset.done @!p0 $0x0  }
0x254: {  	[sflag:s0] =	ssyncadd.s32 @!p0 s1  }
0x255: {  	[bflag:$0x3] =	sbarrier.arrive $0xFFFF  }
0x256: {  	_ =	shalt  }

</sc_bundles>
